<compile_context>
chip_gen: v7x
topology: tpu7x:2x2x1
jax: 0.10.2.dev20260603
libtpu: 0.0.44.dev20260713+nightly
codegen_flags: <defaults>
</compile_context>

<pallas_src>
import functools

import jax
import jax.numpy as jnp
from jax import lax
from jax.experimental import pallas as pl
from jax.experimental.pallas import tpu as pltpu
from jax.experimental.pallas import tpu_sc as plsc

N_ROWS = 16384
DIM = 256
N_CODES = 8192
COMMIT = 0.25

BM = 16384
BN = 256
N_RT = N_ROWS // BM
N_CT = N_CODES // BN

BIG_I32 = 2**30

_WIN_START = (0, 11, 22)
_WIN_END = (10, 21, 31)


def _bf16(v):
    return v.astype(jnp.bfloat16).astype(jnp.float32)


def _dist_body(et_ref, xt_ref, xsq_ref, esq_ref, idx_out, min_out,
               win_v, win_i, glob_v, glob_i, glob_e):
    j = pl.program_id(1)

    et = et_ref[...]
    xt = xt_ref[...]
    mm = jnp.dot(et, xt, preferred_element_type=jnp.float32)
    dist = (xsq_ref[...] + esq_ref[...]) - 2.0 * mm

    local_min = jnp.min(dist, axis=0, keepdims=True)
    row = jax.lax.broadcasted_iota(jnp.int32, (BN, BM), 0) + j * BN
    local_arg = jnp.min(jnp.where(dist == local_min, row, BIG_I32),
                        axis=0, keepdims=True)

    is_start = (j == _WIN_START[0]) | (j == _WIN_START[1]) | (j == _WIN_START[2])

    @pl.when(is_start)
    def _win_init():
        win_v[...] = local_min
        win_i[...] = local_arg

    @pl.when(jnp.logical_not(is_start))
    def _win_merge():
        better = local_min < win_v[...]
        win_v[...] = jnp.where(better, local_min, win_v[...])
        win_i[...] = jnp.where(better, local_arg, win_i[...])

    @pl.when(j == _WIN_END[0])
    def _glob_init():
        glob_v[...] = _bf16(win_v[...])
        glob_i[...] = win_i[...]
        glob_e[...] = win_v[...]

    @pl.when((j == _WIN_END[1]) | (j == _WIN_END[2]))
    def _glob_merge():
        gv, gi = glob_v[...], glob_i[...]
        wv, wi = win_v[...], win_i[...]
        keep = (gv < wv) | ((gv == wv) & (gi < wi))
        glob_i[...] = jnp.where(keep, gi, wi)
        glob_e[...] = jnp.where(keep, glob_e[...], wv)
        glob_v[...] = _bf16(jnp.where(keep, gv, wv))

    @pl.when(j == N_CT - 1)
    def _emit():
        idx_out[...] = glob_i[...].reshape(1, 1, BM)
        min_out[...] = glob_e[...].reshape(1, 1, BM)


def _argmin_tc(table, flat_t, x_sq_t, e_sq_col):
    return pl.pallas_call(
        _dist_body,
        grid=(N_RT, N_CT),
        in_specs=[
            pl.BlockSpec((BN, DIM), lambda i, j: (j, 0)),
            pl.BlockSpec((DIM, BM), lambda i, j: (0, i)),
            pl.BlockSpec((1, BM), lambda i, j: (0, i)),
            pl.BlockSpec((BN, 1), lambda i, j: (j, 0)),
        ],
        out_specs=[
            pl.BlockSpec((1, 1, BM), lambda i, j: (i, 0, 0)),
            pl.BlockSpec((1, 1, BM), lambda i, j: (i, 0, 0)),
        ],
        out_shape=[
            jax.ShapeDtypeStruct((N_RT, 1, BM), jnp.int32),
            jax.ShapeDtypeStruct((N_RT, 1, BM), jnp.float32),
        ],
        scratch_shapes=[
            pltpu.VMEM((1, BM), jnp.float32),
            pltpu.VMEM((1, BM), jnp.int32),
            pltpu.VMEM((1, BM), jnp.float32),
            pltpu.VMEM((1, BM), jnp.int32),
            pltpu.VMEM((1, BM), jnp.float32),
        ],
    )(table, flat_t, x_sq_t, e_sq_col)



_NC = 2
_NS = 16
_NW = _NC * _NS
_BPW = N_ROWS // _NW
_CHUNK = 128
_NCH = _BPW // _CHUNK
_HSLICE = N_CODES // _NS


def _sc_gather_hist(idx2, table):
    mesh = plsc.VectorSubcoreMesh(core_axis_name="c", subcore_axis_name="s")

    @functools.partial(
        pl.kernel,
        out_type=[
            jax.ShapeDtypeStruct((N_ROWS, DIM), jnp.float32),
            jax.ShapeDtypeStruct((_NC, N_CODES), jnp.float32),
        ],
        mesh=mesh,
        scratch_types=[
            pltpu.VMEM((_NCH, _CHUNK), jnp.int32),
            pltpu.VMEM((_CHUNK, DIM), jnp.float32),
            pltpu.VMEM((_CHUNK, DIM), jnp.float32),
            pltpu.VMEM((_CHUNK,), jnp.float32),
            pltpu.VMEM((_HSLICE,), jnp.float32),
            pltpu.VMEM_SHARED((N_CODES,), jnp.float32),
            pltpu.SemaphoreType.DMA,
            pltpu.SemaphoreType.DMA,
        ],
    )
    def k(idx_hbm, table_hbm, out_hbm, hist_hbm,
          idx_v, rows_v0, rows_v1, ones_v, stage_v, hist_sh, sem0, sem1):
        cid = lax.axis_index("c")
        sid = lax.axis_index("s")
        wid = sid * _NC + cid
        base = wid * _BPW

        pltpu.sync_copy(idx_hbm.at[wid], idx_v)

        def fill(r, val, n):
            def body(t, _):
                r[pl.ds(t * 16, 16)] = jnp.full((16,), val, jnp.float32)
                return 0
            lax.fori_loop(0, n // 16, body, 0)

        fill(ones_v, 1.0, _CHUNK)
        fill(stage_v, 0.0, _HSLICE)
        pltpu.sync_copy(stage_v, hist_sh.at[pl.ds(sid * _HSLICE, _HSLICE)])
        plsc.subcore_barrier()

        bufs = (rows_v0, rows_v1)
        sems = (sem0, sem1)
        copies = [pltpu.async_copy(table_hbm.at[idx_v.at[c]],
                                   bufs[c % 2], sems[c % 2])
                  for c in range(2)]
        for c in range(_NCH):
            copies[c].wait()
            pltpu.sync_copy(bufs[c % 2],
                            out_hbm.at[pl.ds(base + c * _CHUNK, _CHUNK)])
            if c + 2 < _NCH:
                copies.append(pltpu.async_copy(table_hbm.at[idx_v.at[c + 2]],
                                               bufs[c % 2], sems[c % 2]))
            pltpu.sync_copy(ones_v, hist_sh.at[idx_v.at[c]], add=True)

        plsc.subcore_barrier()
        pltpu.sync_copy(hist_sh.at[pl.ds(sid * _HSLICE, _HSLICE)], stage_v)
        pltpu.sync_copy(stage_v,
                        hist_hbm.at[cid, pl.ds(sid * _HSLICE, _HSLICE)])

    return k(idx2, table)



def _finalize_body(min_ref, hist_ref, loss_ref, perp_ref):
    loss_ref[0, 0] = (COMMIT / (N_ROWS * DIM)) * jnp.sum(min_ref[...])
    counts = hist_ref[0:64, :] + hist_ref[64:128, :]
    p = counts * (1.0 / N_ROWS)
    ent = -jnp.sum(p * jnp.log(p + 1e-10))
    perp_ref[0, 0] = jnp.exp(ent)


def _finalize_tc(min2d, hist2d):
    return pl.pallas_call(
        _finalize_body,
        out_shape=[
            jax.ShapeDtypeStruct((1, 1), jnp.float32),
            jax.ShapeDtypeStruct((1, 1), jnp.float32),
        ],
        out_specs=[
            pl.BlockSpec(memory_space=pltpu.SMEM),
            pl.BlockSpec(memory_space=pltpu.SMEM),
        ],
    )(min2d, hist2d)


def kernel(inputs, embed):
    B, C, H, W = inputs.shape
    flat = jnp.transpose(inputs, (0, 2, 3, 1)).reshape(-1, C)
    table = embed.T

    x_sq_t = jnp.sum(flat ** 2, axis=1, keepdims=True).reshape(1, N_ROWS)
    e_sq_col = jnp.sum(embed ** 2, axis=0).reshape(N_CODES, 1)
    flat_t = jnp.transpose(inputs, (1, 0, 2, 3)).reshape(C, -1)

    idx_col, min_col = _argmin_tc(table, flat_t, x_sq_t, e_sq_col)
    idx_flat = idx_col.reshape(-1)

    idx2 = idx_flat.reshape(_NW, _NCH, _CHUNK)
    quant_flat, hist = _sc_gather_hist(idx2, table)

    loss2d, perp2d = _finalize_tc(min_col.reshape(128, 128),
                                  hist.reshape(128, 128))

    quantized_out = jnp.transpose(quant_flat.reshape(B, H, W, C), (0, 3, 1, 2))
    return (quantized_out,
            loss2d.reshape(()),
            idx_flat,
            perp2d.reshape(()))

# --- scband reference (transcript-rebuilt; emitter-appended) ---
"""Pipeline reference for scband-vector-quantizer-13649406067019 (READ-ONLY COPY).

The authoritative reference and input builder live on the scoring server;
editing this copy changes nothing except your own understanding.
"""

import jax, jax.numpy as jnp
import numpy as np

NUM_EMBEDDINGS = 8192
EMBEDDING_DIM = 256
COMMITMENT_COST = 0.25


def setup_inputs(seed: int = 0) -> dict:
    key = jax.random.key(seed)
    k1, k2 = jax.random.split(key)
    inputs = jax.random.normal(k1, (16, 256, 32, 32), dtype=jnp.float32)
    # buffer: embed has shape (embedding_dim, num_embeddings), init randn like torch
    embed = jax.random.normal(k2, (EMBEDDING_DIM, NUM_EMBEDDINGS), dtype=jnp.float32)
    return {"inputs": inputs, "embed": embed}


def reference(inputs, embed):
    # eval-mode forward (EMA buffer updates only happen in training mode)
    input_shape = inputs.shape
    B, C, H, W = input_shape
    flat_input = jnp.transpose(inputs, (0, 2, 3, 1)).reshape(-1, C)
    distances = (
        jnp.sum(flat_input ** 2, axis=1, keepdims=True)
        + jnp.sum(embed ** 2, axis=0)
        - 2.0 * jnp.matmul(flat_input, embed)
    )
    encoding_indices = jnp.argmin(distances, axis=1)
    encodings = jax.nn.one_hot(encoding_indices, NUM_EMBEDDINGS, dtype=inputs.dtype)
    quantized = jnp.matmul(encodings, embed.T)
    e_latent_loss = jnp.mean((jax.lax.stop_gradient(quantized) - flat_input) ** 2)
    loss = COMMITMENT_COST * e_latent_loss
    quantized_st = flat_input + jax.lax.stop_gradient(quantized - flat_input)
    quantized_out = jnp.transpose(quantized_st.reshape(B, H, W, C), (0, 3, 1, 2))
    avg_probs = jnp.mean(encodings, axis=0)
    perplexity = jnp.exp(-jnp.sum(avg_probs * jnp.log(avg_probs + 1e-10)))
    return (quantized_out, loss, encoding_indices.reshape(-1), perplexity)

if __name__ == "__main__":
    import jax
    _d = setup_inputs()
    print(jax.jit(kernel)(*tuple(_d.values())))

</pallas_src>

<mosaic_0001>
#map = affine_map<(d0, d1) -> (0, 0, 0)>
#map1 = affine_map<(d0, d1) -> (0, 0)>
module attributes {stable_mosaic.version = 14 : i64} {
  func.func @k(%arg0: i32, %arg1: i32, %arg2: memref<32x4x128xi32, #tpu.memory_space<hbm>>, %arg3: memref<8192x256xf32, #tpu.memory_space<hbm>>, %arg4: memref<16384x256xf32, #tpu.memory_space<hbm>>, %arg5: memref<2x8192xf32, #tpu.memory_space<hbm>>, %arg6: memref<4x128xi32, #tpu.memory_space<vmem>>, %arg7: memref<128x256xf32, #tpu.memory_space<vmem>>, %arg8: memref<128x256xf32, #tpu.memory_space<vmem>>, %arg9: memref<128xf32, #tpu.memory_space<vmem>>, %arg10: memref<512xf32, #tpu.memory_space<vmem>>, %arg11: memref<8192xf32, #tpu.memory_space<vmem_shared>>, %arg12: memref<!tpu.dma_semaphore, #tpu.memory_space<semaphore_mem>>, %arg13: memref<!tpu.dma_semaphore, #tpu.memory_space<semaphore_mem>>) attributes {dimension_semantics = [#tpu.dimension_semantics<core_parallel>, #tpu.dimension_semantics<subcore_parallel>], iteration_bounds = array<i64: 2, 16>, scalar_prefetch = 0 : i64, scratch_operands = 8 : i64, tpu.core_type = #tpu.core_type<sc_vector_subcore>, window_params = [{transform_indices = #map}, {transform_indices = #map1}, {transform_indices = #map1}, {transform_indices = #map1}]} {
    %mul3A = arith.constant 2 : i32
    %mul3A_0 = arith.muli %arg1, %mul3A : i32
    %add3A = arith.addi %mul3A_0, %arg0 : i32
    %mul3A_1 = arith.constant 512 : i32
    %mul3A_2 = arith.muli %add3A, %mul3A_1 : i32
    "tpu.region"() ({
      %run_scoped3A_88 = tpu.sem_alloc : memref<!tpu.dma_semaphore, #tpu.memory_space<semaphore_mem>>
      %dma_start3A_89 = arith.constant 0 : i32
      %dma_start3A_90 = arith.constant 0 : i32
      %dma_start3A_91 = tpu.memref_slice %arg2[%add3A, %dma_start3A_89, %dma_start3A_90] : memref<32x4x128xi32, #tpu.memory_space<hbm>> -> memref<1x4x128xi32, #tpu.memory_space<hbm>>
      %dma_start3A_92 = tpu.memref_squeeze %dma_start3A_91 : memref<1x4x128xi32, #tpu.memory_space<hbm>> -> memref<4x128xi32, #tpu.memory_space<hbm>>
      %dma_start3A_93 = arith.constant 0 : i32
      %dma_start3A_94 = arith.constant 0 : i32
      %dma_start3A_95 = tpu.memref_slice %arg2[%add3A, %dma_start3A_93, %dma_start3A_94] : memref<32x4x128xi32, #tpu.memory_space<hbm>> -> memref<1x4x128xi32, #tpu.memory_space<hbm>>
      %dma_start3A_96 = tpu.memref_squeeze %dma_start3A_95 : memref<1x4x128xi32, #tpu.memory_space<hbm>> -> memref<4x128xi32, #tpu.memory_space<hbm>>
      tpu.enqueue_dma source(%dma_start3A_96 : memref<4x128xi32, #tpu.memory_space<hbm>>) target(%arg6 : memref<4x128xi32, #tpu.memory_space<vmem>>) target_semaphore(%run_scoped3A_88 : memref<!tpu.dma_semaphore, #tpu.memory_space<semaphore_mem>>)
      %dma_wait3A_97 = arith.constant 0 : i32
      %dma_wait3A_98 = arith.constant 0 : i32
      %dma_wait3A_99 = tpu.memref_slice %arg2[%add3A, %dma_wait3A_97, %dma_wait3A_98] : memref<32x4x128xi32, #tpu.memory_space<hbm>> -> memref<1x4x128xi32, #tpu.memory_space<hbm>>
      %dma_wait3A_100 = tpu.memref_squeeze %dma_wait3A_99 : memref<1x4x128xi32, #tpu.memory_space<hbm>> -> memref<4x128xi32, #tpu.memory_space<hbm>>
      %dma_wait3A_101 = arith.constant 0 : i32
      %dma_wait3A_102 = arith.constant 0 : i32
      %dma_wait3A_103 = tpu.memref_slice %arg2[%add3A, %dma_wait3A_101, %dma_wait3A_102] : memref<32x4x128xi32, #tpu.memory_space<hbm>> -> memref<1x4x128xi32, #tpu.memory_space<hbm>>
      %dma_wait3A_104 = tpu.memref_squeeze %dma_wait3A_103 : memref<1x4x128xi32, #tpu.memory_space<hbm>> -> memref<4x128xi32, #tpu.memory_space<hbm>>
      tpu.wait_dma2 semaphore(%run_scoped3A_88 : memref<!tpu.dma_semaphore, #tpu.memory_space<semaphore_mem>>) src(%dma_wait3A_104 : memref<4x128xi32, #tpu.memory_space<hbm>>) dst(%arg6 : memref<4x128xi32, #tpu.memory_space<vmem>>)
      tpu.yield
    }) : () -> ()
    %scan3A = arith.constant 0 : i32
    %scan3A_3 = arith.constant 0 : i32
    %scan3A_4 = arith.constant 8 : i32
    %scan3A_5 = arith.addi %scan3A_3, %scan3A_4 : i32
    %scan3A_6 = arith.constant 1 : i32
    %scan3A_7 = scf.for %scan3A_88 = %scan3A_3 to %scan3A_5 step %scan3A_6 iter_args(%scan3A_89 = %scan3A) -> (i32)  : i32 {
      %broadcast_in_dim3A = arith.constant 1.000000e+00 : f32
      %broadcast_in_dim3A_90 = vector.broadcast %broadcast_in_dim3A : f32 to vector<16xf32>
      %mul3A_91 = arith.constant 16 : i32
      %mul3A_92 = arith.muli %scan3A_88, %mul3A_91 : i32
      %swap3A = arith.index_cast %mul3A_92 : i32 to index
      %swap3A_93 = tpu.vector_load %arg9[%swap3A] {strides = array<i32>} : memref<128xf32, #tpu.memory_space<vmem>>, vector<16xf32>,
      %swap3A_94 = vector.shape_cast %swap3A_93 : vector<16xf32> to vector<16xf32>
      %swap3A_95 = vector.shape_cast %broadcast_in_dim3A_90 : vector<16xf32> to vector<16xf32>
      tpu.vector_store %arg9[%swap3A], %swap3A_95 {strides = array<i32>} : memref<128xf32, #tpu.memory_space<vmem>>, vector<16xf32>,
      %scan3A_96 = arith.constant 0 : i32
      scf.yield %scan3A_96 : i32
    }
    %scan3A_8 = arith.constant 8 : i32
    %scan3A_9 = arith.constant 0 : i32
    %scan3A_10 = arith.constant 0 : i32
    %scan3A_11 = arith.constant 32 : i32
    %scan3A_12 = arith.addi %scan3A_10, %scan3A_11 : i32
    %scan3A_13 = arith.constant 1 : i32
    %scan3A_14 = scf.for %scan3A_88 = %scan3A_10 to %scan3A_12 step %scan3A_13 iter_args(%scan3A_89 = %scan3A_9) -> (i32)  : i32 {
      %broadcast_in_dim3A = arith.constant 0.000000e+00 : f32
      %broadcast_in_dim3A_90 = vector.broadcast %broadcast_in_dim3A : f32 to vector<16xf32>
      %mul3A_91 = arith.constant 16 : i32
      %mul3A_92 = arith.muli %scan3A_88, %mul3A_91 : i32
      %swap3A = arith.index_cast %mul3A_92 : i32 to index
      %swap3A_93 = tpu.vector_load %arg10[%swap3A] {strides = array<i32>} : memref<512xf32, #tpu.memory_space<vmem>>, vector<16xf32>,
      %swap3A_94 = vector.shape_cast %swap3A_93 : vector<16xf32> to vector<16xf32>
      %swap3A_95 = vector.shape_cast %broadcast_in_dim3A_90 : vector<16xf32> to vector<16xf32>
      tpu.vector_store %arg10[%swap3A], %swap3A_95 {strides = array<i32>} : memref<512xf32, #tpu.memory_space<vmem>>, vector<16xf32>,
      %scan3A_96 = arith.constant 0 : i32
      scf.yield %scan3A_96 : i32
    }
    %scan3A_15 = arith.constant 32 : i32
    %mul3A_16 = arith.constant 512 : i32
    %mul3A_17 = arith.muli %arg1, %mul3A_16 : i32
    "tpu.region"() ({
      %run_scoped3A_88 = tpu.sem_alloc : memref<!tpu.dma_semaphore, #tpu.memory_space<semaphore_mem>>
      %dma_start3A_89 = tpu.memref_slice %arg11[%mul3A_17] : memref<8192xf32, #tpu.memory_space<vmem_shared>> -> memref<512xf32, #tpu.memory_space<vmem_shared>>
      %dma_start3A_90 = tpu.memref_slice %arg11[%mul3A_17] : memref<8192xf32, #tpu.memory_space<vmem_shared>> -> memref<512xf32, #tpu.memory_space<vmem_shared>>
      tpu.enqueue_dma source(%arg10 : memref<512xf32, #tpu.memory_space<vmem>>) target(%dma_start3A_90 : memref<512xf32, #tpu.memory_space<vmem_shared>>) target_semaphore(%run_scoped3A_88 : memref<!tpu.dma_semaphore, #tpu.memory_space<semaphore_mem>>)
      %dma_wait3A_91 = tpu.memref_slice %arg11[%mul3A_17] : memref<8192xf32, #tpu.memory_space<vmem_shared>> -> memref<512xf32, #tpu.memory_space<vmem_shared>>
      %dma_wait3A_92 = tpu.memref_slice %arg11[%mul3A_17] : memref<8192xf32, #tpu.memory_space<vmem_shared>> -> memref<512xf32, #tpu.memory_space<vmem_shared>>
      tpu.wait_dma2 semaphore(%run_scoped3A_88 : memref<!tpu.dma_semaphore, #tpu.memory_space<semaphore_mem>>) src(%arg10 : memref<512xf32, #tpu.memory_space<vmem>>) dst(%dma_wait3A_92 : memref<512xf32, #tpu.memory_space<vmem_shared>>)
      tpu.yield
    }) : () -> ()
    %barrier3A = arith.constant 0 : index
    tpu.barrier barrier_id(%barrier3A)
    %dma_start3A = arith.constant 0 : i32
    %dma_start3A_18 = arith.constant 0 : i32
    %dma_start3A_19 = tpu.memref_slice %arg6[%dma_start3A, %dma_start3A_18] : memref<4x128xi32, #tpu.memory_space<vmem>> -> memref<1x128xi32, #tpu.memory_space<vmem>>
    %dma_start3A_20 = tpu.memref_squeeze %dma_start3A_19 : memref<1x128xi32, #tpu.memory_space<vmem>> -> memref<128xi32, #tpu.memory_space<vmem>>
    %dma_start3A_21 = arith.constant 0 : i32
    %dma_start3A_22 = arith.constant 0 : i32
    %dma_start3A_23 = tpu.memref_slice %arg3[%dma_start3A_21, %dma_start3A_22] : memref<8192x256xf32, #tpu.memory_space<hbm>> -> memref<8192x256xf32, #tpu.memory_space<hbm>>
    tpu.enqueue_indirect_dma source(%dma_start3A_23 : memref<8192x256xf32, #tpu.memory_space<hbm>>) target(%arg7 : memref<128x256xf32, #tpu.memory_space<vmem>>) offsets(%dma_start3A_20 : memref<128xi32, #tpu.memory_space<vmem>>) semaphore(%arg12 : memref<!tpu.dma_semaphore, #tpu.memory_space<semaphore_mem>>)
    %dma_start3A_24 = arith.constant 1 : i32
    %dma_start3A_25 = arith.constant 0 : i32
    %dma_start3A_26 = tpu.memref_slice %arg6[%dma_start3A_24, %dma_start3A_25] : memref<4x128xi32, #tpu.memory_space<vmem>> -> memref<1x128xi32, #tpu.memory_space<vmem>>
    %dma_start3A_27 = tpu.memref_squeeze %dma_start3A_26 : memref<1x128xi32, #tpu.memory_space<vmem>> -> memref<128xi32, #tpu.memory_space<vmem>>
    %dma_start3A_28 = arith.constant 0 : i32
    %dma_start3A_29 = arith.constant 0 : i32
    %dma_start3A_30 = tpu.memref_slice %arg3[%dma_start3A_28, %dma_start3A_29] : memref<8192x256xf32, #tpu.memory_space<hbm>> -> memref<8192x256xf32, #tpu.memory_space<hbm>>
    tpu.enqueue_indirect_dma source(%dma_start3A_30 : memref<8192x256xf32, #tpu.memory_space<hbm>>) target(%arg8 : memref<128x256xf32, #tpu.memory_space<vmem>>) offsets(%dma_start3A_27 : memref<128xi32, #tpu.memory_space<vmem>>) semaphore(%arg13 : memref<!tpu.dma_semaphore, #tpu.memory_space<semaphore_mem>>)
    %dma_wait3A = arith.constant 0 : i32
    %dma_wait3A_31 = arith.constant 0 : i32
    %dma_wait3A_32 = tpu.memref_slice %arg6[%dma_wait3A, %dma_wait3A_31] : memref<4x128xi32, #tpu.memory_space<vmem>> -> memref<1x128xi32, #tpu.memory_space<vmem>>
    %dma_wait3A_33 = tpu.memref_squeeze %dma_wait3A_32 : memref<1x128xi32, #tpu.memory_space<vmem>> -> memref<128xi32, #tpu.memory_space<vmem>>
    %dma_wait3A_34 = arith.constant 0 : i32
    %dma_wait3A_35 = arith.constant 0 : i32
    %dma_wait3A_36 = tpu.memref_slice %arg3[%dma_wait3A_34, %dma_wait3A_35] : memref<8192x256xf32, #tpu.memory_space<hbm>> -> memref<8192x256xf32, #tpu.memory_space<hbm>>
    tpu.wait_indirect_dma semaphore(%arg12 : memref<!tpu.dma_semaphore, #tpu.memory_space<semaphore_mem>>) src(%dma_wait3A_36 : memref<8192x256xf32, #tpu.memory_space<hbm>>) dst(%arg7 : memref<128x256xf32, #tpu.memory_space<vmem>>)
    %add3A_37 = arith.constant 0 : i32
    %add3A_38 = arith.addi %mul3A_2, %add3A_37 : i32
    "tpu.region"() ({
      %run_scoped3A_88 = tpu.sem_alloc : memref<!tpu.dma_semaphore, #tpu.memory_space<semaphore_mem>>
      %dma_start3A_89 = arith.constant 0 : i32
      %dma_start3A_90 = tpu.memref_slice %arg4[%add3A_38, %dma_start3A_89] : memref<16384x256xf32, #tpu.memory_space<hbm>> -> memref<128x256xf32, #tpu.memory_space<hbm>>
      %dma_start3A_91 = arith.constant 0 : i32
      %dma_start3A_92 = tpu.memref_slice %arg4[%add3A_38, %dma_start3A_91] : memref<16384x256xf32, #tpu.memory_space<hbm>> -> memref<128x256xf32, #tpu.memory_space<hbm>>
      tpu.enqueue_dma source(%arg7 : memref<128x256xf32, #tpu.memory_space<vmem>>) target(%dma_start3A_92 : memref<128x256xf32, #tpu.memory_space<hbm>>) target_semaphore(%run_scoped3A_88 : memref<!tpu.dma_semaphore, #tpu.memory_space<semaphore_mem>>)
      %dma_wait3A_93 = arith.constant 0 : i32
      %dma_wait3A_94 = tpu.memref_slice %arg4[%add3A_38, %dma_wait3A_93] : memref<16384x256xf32, #tpu.memory_space<hbm>> -> memref<128x256xf32, #tpu.memory_space<hbm>>
      %dma_wait3A_95 = arith.constant 0 : i32
      %dma_wait3A_96 = tpu.memref_slice %arg4[%add3A_38, %dma_wait3A_95] : memref<16384x256xf32, #tpu.memory_space<hbm>> -> memref<128x256xf32, #tpu.memory_space<hbm>>
      tpu.wait_dma2 semaphore(%run_scoped3A_88 : memref<!tpu.dma_semaphore, #tpu.memory_space<semaphore_mem>>) src(%arg7 : memref<128x256xf32, #tpu.memory_space<vmem>>) dst(%dma_wait3A_96 : memref<128x256xf32, #tpu.memory_space<hbm>>)
      tpu.yield
    }) : () -> ()
    %dma_start3A_39 = arith.constant 2 : i32
    %dma_start3A_40 = arith.constant 0 : i32
    %dma_start3A_41 = tpu.memref_slice %arg6[%dma_start3A_39, %dma_start3A_40] : memref<4x128xi32, #tpu.memory_space<vmem>> -> memref<1x128xi32, #tpu.memory_space<vmem>>
    %dma_start3A_42 = tpu.memref_squeeze %dma_start3A_41 : memref<1x128xi32, #tpu.memory_space<vmem>> -> memref<128xi32, #tpu.memory_space<vmem>>
    %dma_start3A_43 = arith.constant 0 : i32
    %dma_start3A_44 = arith.constant 0 : i32
    %dma_start3A_45 = tpu.memref_slice %arg3[%dma_start3A_43, %dma_start3A_44] : memref<8192x256xf32, #tpu.memory_space<hbm>> -> memref<8192x256xf32, #tpu.memory_space<hbm>>
    tpu.enqueue_indirect_dma source(%dma_start3A_45 : memref<8192x256xf32, #tpu.memory_space<hbm>>) target(%arg7 : memref<128x256xf32, #tpu.memory_space<vmem>>) offsets(%dma_start3A_42 : memref<128xi32, #tpu.memory_space<vmem>>) semaphore(%arg12 : memref<!tpu.dma_semaphore, #tpu.memory_space<semaphore_mem>>)
    %run_scoped3A = arith.constant 0 : i32
    "tpu.region"() ({
      %run_scoped3A_88 = tpu.sem_alloc : memref<!tpu.dma_semaphore, #tpu.memory_space<semaphore_mem>>
      %dma_start3A_89 = arith.constant 0 : i32
      %dma_start3A_90 = tpu.memref_slice %arg6[%run_scoped3A, %dma_start3A_89] : memref<4x128xi32, #tpu.memory_space<vmem>> -> memref<1x128xi32, #tpu.memory_space<vmem>>
      %dma_start3A_91 = tpu.memref_squeeze %dma_start3A_90 : memref<1x128xi32, #tpu.memory_space<vmem>> -> memref<128xi32, #tpu.memory_space<vmem>>
      %dma_start3A_92 = arith.constant 0 : i32
      %dma_start3A_93 = tpu.memref_slice %arg11[%dma_start3A_92] : memref<8192xf32, #tpu.memory_space<vmem_shared>> -> memref<8192xf32, #tpu.memory_space<vmem_shared>>
      tpu.enqueue_indirect_dma source(%arg9 : memref<128xf32, #tpu.memory_space<vmem>>) target(%dma_start3A_93 : memref<8192xf32, #tpu.memory_space<vmem_shared>>) offsets(%dma_start3A_91 : memref<128xi32, #tpu.memory_space<vmem>>) semaphore(%run_scoped3A_88 : memref<!tpu.dma_semaphore, #tpu.memory_space<semaphore_mem>>) {add = true}
      %dma_wait3A_94 = arith.constant 0 : i32
      %dma_wait3A_95 = tpu.memref_slice %arg6[%run_scoped3A, %dma_wait3A_94] : memref<4x128xi32, #tpu.memory_space<vmem>> -> memref<1x128xi32, #tpu.memory_space<vmem>>
      %dma_wait3A_96 = tpu.memref_squeeze %dma_wait3A_95 : memref<1x128xi32, #tpu.memory_space<vmem>> -> memref<128xi32, #tpu.memory_space<vmem>>
      %dma_wait3A_97 = arith.constant 0 : i32
      %dma_wait3A_98 = tpu.memref_slice %arg11[%dma_wait3A_97] : memref<8192xf32, #tpu.memory_space<vmem_shared>> -> memref<8192xf32, #tpu.memory_space<vmem_shared>>
      tpu.wait_indirect_dma semaphore(%run_scoped3A_88 : memref<!tpu.dma_semaphore, #tpu.memory_space<semaphore_mem>>) src(%arg9 : memref<128xf32, #tpu.memory_space<vmem>>) dst(%dma_wait3A_98 : memref<8192xf32, #tpu.memory_space<vmem_shared>>)
      tpu.yield
    }) : () -> ()
    %dma_wait3A_46 = arith.constant 1 : i32
    %dma_wait3A_47 = arith.constant 0 : i32
    %dma_wait3A_48 = tpu.memref_slice %arg6[%dma_wait3A_46, %dma_wait3A_47] : memref<4x128xi32, #tpu.memory_space<vmem>> -> memref<1x128xi32, #tpu.memory_space<vmem>>
    %dma_wait3A_49 = tpu.memref_squeeze %dma_wait3A_48 : memref<1x128xi32, #tpu.memory_space<vmem>> -> memref<128xi32, #tpu.memory_space<vmem>>
    %dma_wait3A_50 = arith.constant 0 : i32
    %dma_wait3A_51 = arith.constant 0 : i32
    %dma_wait3A_52 = tpu.memref_slice %arg3[%dma_wait3A_50, %dma_wait3A_51] : memref<8192x256xf32, #tpu.memory_space<hbm>> -> memref<8192x256xf32, #tpu.memory_space<hbm>>
    tpu.wait_indirect_dma semaphore(%arg13 : memref<!tpu.dma_semaphore, #tpu.memory_space<semaphore_mem>>) src(%dma_wait3A_52 : memref<8192x256xf32, #tpu.memory_space<hbm>>) dst(%arg8 : memref<128x256xf32, #tpu.memory_space<vmem>>)
    %add3A_53 = arith.constant 128 : i32
    %add3A_54 = arith.addi %mul3A_2, %add3A_53 : i32
    "tpu.region"() ({
      %run_scoped3A_88 = tpu.sem_alloc : memref<!tpu.dma_semaphore, #tpu.memory_space<semaphore_mem>>
      %dma_start3A_89 = arith.constant 0 : i32
      %dma_start3A_90 = tpu.memref_slice %arg4[%add3A_54, %dma_start3A_89] : memref<16384x256xf32, #tpu.memory_space<hbm>> -> memref<128x256xf32, #tpu.memory_space<hbm>>
      %dma_start3A_91 = arith.constant 0 : i32
      %dma_start3A_92 = tpu.memref_slice %arg4[%add3A_54, %dma_start3A_91] : memref<16384x256xf32, #tpu.memory_space<hbm>> -> memref<128x256xf32, #tpu.memory_space<hbm>>
      tpu.enqueue_dma source(%arg8 : memref<128x256xf32, #tpu.memory_space<vmem>>) target(%dma_start3A_92 : memref<128x256xf32, #tpu.memory_space<hbm>>) target_semaphore(%run_scoped3A_88 : memref<!tpu.dma_semaphore, #tpu.memory_space<semaphore_mem>>)
      %dma_wait3A_93 = arith.constant 0 : i32
      %dma_wait3A_94 = tpu.memref_slice %arg4[%add3A_54, %dma_wait3A_93] : memref<16384x256xf32, #tpu.memory_space<hbm>> -> memref<128x256xf32, #tpu.memory_space<hbm>>
      %dma_wait3A_95 = arith.constant 0 : i32
      %dma_wait3A_96 = tpu.memref_slice %arg4[%add3A_54, %dma_wait3A_95] : memref<16384x256xf32, #tpu.memory_space<hbm>> -> memref<128x256xf32, #tpu.memory_space<hbm>>
      tpu.wait_dma2 semaphore(%run_scoped3A_88 : memref<!tpu.dma_semaphore, #tpu.memory_space<semaphore_mem>>) src(%arg8 : memref<128x256xf32, #tpu.memory_space<vmem>>) dst(%dma_wait3A_96 : memref<128x256xf32, #tpu.memory_space<hbm>>)
      tpu.yield
    }) : () -> ()
    %dma_start3A_55 = arith.constant 3 : i32
    %dma_start3A_56 = arith.constant 0 : i32
    %dma_start3A_57 = tpu.memref_slice %arg6[%dma_start3A_55, %dma_start3A_56] : memref<4x128xi32, #tpu.memory_space<vmem>> -> memref<1x128xi32, #tpu.memory_space<vmem>>
    %dma_start3A_58 = tpu.memref_squeeze %dma_start3A_57 : memref<1x128xi32, #tpu.memory_space<vmem>> -> memref<128xi32, #tpu.memory_space<vmem>>
    %dma_start3A_59 = arith.constant 0 : i32
    %dma_start3A_60 = arith.constant 0 : i32
    %dma_start3A_61 = tpu.memref_slice %arg3[%dma_start3A_59, %dma_start3A_60] : memref<8192x256xf32, #tpu.memory_space<hbm>> -> memref<8192x256xf32, #tpu.memory_space<hbm>>
    tpu.enqueue_indirect_dma source(%dma_start3A_61 : memref<8192x256xf32, #tpu.memory_space<hbm>>) target(%arg8 : memref<128x256xf32, #tpu.memory_space<vmem>>) offsets(%dma_start3A_58 : memref<128xi32, #tpu.memory_space<vmem>>) semaphore(%arg13 : memref<!tpu.dma_semaphore, #tpu.memory_space<semaphore_mem>>)
    %run_scoped3A_62 = arith.constant 1 : i32
    "tpu.region"() ({
      %run_scoped3A_88 = tpu.sem_alloc : memref<!tpu.dma_semaphore, #tpu.memory_space<semaphore_mem>>
      %dma_start3A_89 = arith.constant 0 : i32
      %dma_start3A_90 = tpu.memref_slice %arg6[%run_scoped3A_62, %dma_start3A_89] : memref<4x128xi32, #tpu.memory_space<vmem>> -> memref<1x128xi32, #tpu.memory_space<vmem>>
      %dma_start3A_91 = tpu.memref_squeeze %dma_start3A_90 : memref<1x128xi32, #tpu.memory_space<vmem>> -> memref<128xi32, #tpu.memory_space<vmem>>
      %dma_start3A_92 = arith.constant 0 : i32
      %dma_start3A_93 = tpu.memref_slice %arg11[%dma_start3A_92] : memref<8192xf32, #tpu.memory_space<vmem_shared>> -> memref<8192xf32, #tpu.memory_space<vmem_shared>>
      tpu.enqueue_indirect_dma source(%arg9 : memref<128xf32, #tpu.memory_space<vmem>>) target(%dma_start3A_93 : memref<8192xf32, #tpu.memory_space<vmem_shared>>) offsets(%dma_start3A_91 : memref<128xi32, #tpu.memory_space<vmem>>) semaphore(%run_scoped3A_88 : memref<!tpu.dma_semaphore, #tpu.memory_space<semaphore_mem>>) {add = true}
      %dma_wait3A_94 = arith.constant 0 : i32
      %dma_wait3A_95 = tpu.memref_slice %arg6[%run_scoped3A_62, %dma_wait3A_94] : memref<4x128xi32, #tpu.memory_space<vmem>> -> memref<1x128xi32, #tpu.memory_space<vmem>>
      %dma_wait3A_96 = tpu.memref_squeeze %dma_wait3A_95 : memref<1x128xi32, #tpu.memory_space<vmem>> -> memref<128xi32, #tpu.memory_space<vmem>>
      %dma_wait3A_97 = arith.constant 0 : i32
      %dma_wait3A_98 = tpu.memref_slice %arg11[%dma_wait3A_97] : memref<8192xf32, #tpu.memory_space<vmem_shared>> -> memref<8192xf32, #tpu.memory_space<vmem_shared>>
      tpu.wait_indirect_dma semaphore(%run_scoped3A_88 : memref<!tpu.dma_semaphore, #tpu.memory_space<semaphore_mem>>) src(%arg9 : memref<128xf32, #tpu.memory_space<vmem>>) dst(%dma_wait3A_98 : memref<8192xf32, #tpu.memory_space<vmem_shared>>)
      tpu.yield
    }) : () -> ()
    %dma_wait3A_63 = arith.constant 2 : i32
    %dma_wait3A_64 = arith.constant 0 : i32
    %dma_wait3A_65 = tpu.memref_slice %arg6[%dma_wait3A_63, %dma_wait3A_64] : memref<4x128xi32, #tpu.memory_space<vmem>> -> memref<1x128xi32, #tpu.memory_space<vmem>>
    %dma_wait3A_66 = tpu.memref_squeeze %dma_wait3A_65 : memref<1x128xi32, #tpu.memory_space<vmem>> -> memref<128xi32, #tpu.memory_space<vmem>>
    %dma_wait3A_67 = arith.constant 0 : i32
    %dma_wait3A_68 = arith.constant 0 : i32
    %dma_wait3A_69 = tpu.memref_slice %arg3[%dma_wait3A_67, %dma_wait3A_68] : memref<8192x256xf32, #tpu.memory_space<hbm>> -> memref<8192x256xf32, #tpu.memory_space<hbm>>
    tpu.wait_indirect_dma semaphore(%arg12 : memref<!tpu.dma_semaphore, #tpu.memory_space<semaphore_mem>>) src(%dma_wait3A_69 : memref<8192x256xf32, #tpu.memory_space<hbm>>) dst(%arg7 : memref<128x256xf32, #tpu.memory_space<vmem>>)
    %add3A_70 = arith.constant 256 : i32
    %add3A_71 = arith.addi %mul3A_2, %add3A_70 : i32
    "tpu.region"() ({
      %run_scoped3A_88 = tpu.sem_alloc : memref<!tpu.dma_semaphore, #tpu.memory_space<semaphore_mem>>
      %dma_start3A_89 = arith.constant 0 : i32
      %dma_start3A_90 = tpu.memref_slice %arg4[%add3A_71, %dma_start3A_89] : memref<16384x256xf32, #tpu.memory_space<hbm>> -> memref<128x256xf32, #tpu.memory_space<hbm>>
      %dma_start3A_91 = arith.constant 0 : i32
      %dma_start3A_92 = tpu.memref_slice %arg4[%add3A_71, %dma_start3A_91] : memref<16384x256xf32, #tpu.memory_space<hbm>> -> memref<128x256xf32, #tpu.memory_space<hbm>>
      tpu.enqueue_dma source(%arg7 : memref<128x256xf32, #tpu.memory_space<vmem>>) target(%dma_start3A_92 : memref<128x256xf32, #tpu.memory_space<hbm>>) target_semaphore(%run_scoped3A_88 : memref<!tpu.dma_semaphore, #tpu.memory_space<semaphore_mem>>)
      %dma_wait3A_93 = arith.constant 0 : i32
      %dma_wait3A_94 = tpu.memref_slice %arg4[%add3A_71, %dma_wait3A_93] : memref<16384x256xf32, #tpu.memory_space<hbm>> -> memref<128x256xf32, #tpu.memory_space<hbm>>
      %dma_wait3A_95 = arith.constant 0 : i32
      %dma_wait3A_96 = tpu.memref_slice %arg4[%add3A_71, %dma_wait3A_95] : memref<16384x256xf32, #tpu.memory_space<hbm>> -> memref<128x256xf32, #tpu.memory_space<hbm>>
      tpu.wait_dma2 semaphore(%run_scoped3A_88 : memref<!tpu.dma_semaphore, #tpu.memory_space<semaphore_mem>>) src(%arg7 : memref<128x256xf32, #tpu.memory_space<vmem>>) dst(%dma_wait3A_96 : memref<128x256xf32, #tpu.memory_space<hbm>>)
      tpu.yield
    }) : () -> ()
    %run_scoped3A_72 = arith.constant 2 : i32
    "tpu.region"() ({
      %run_scoped3A_88 = tpu.sem_alloc : memref<!tpu.dma_semaphore, #tpu.memory_space<semaphore_mem>>
      %dma_start3A_89 = arith.constant 0 : i32
      %dma_start3A_90 = tpu.memref_slice %arg6[%run_scoped3A_72, %dma_start3A_89] : memref<4x128xi32, #tpu.memory_space<vmem>> -> memref<1x128xi32, #tpu.memory_space<vmem>>
      %dma_start3A_91 = tpu.memref_squeeze %dma_start3A_90 : memref<1x128xi32, #tpu.memory_space<vmem>> -> memref<128xi32, #tpu.memory_space<vmem>>
      %dma_start3A_92 = arith.constant 0 : i32
      %dma_start3A_93 = tpu.memref_slice %arg11[%dma_start3A_92] : memref<8192xf32, #tpu.memory_space<vmem_shared>> -> memref<8192xf32, #tpu.memory_space<vmem_shared>>
      tpu.enqueue_indirect_dma source(%arg9 : memref<128xf32, #tpu.memory_space<vmem>>) target(%dma_start3A_93 : memref<8192xf32, #tpu.memory_space<vmem_shared>>) offsets(%dma_start3A_91 : memref<128xi32, #tpu.memory_space<vmem>>) semaphore(%run_scoped3A_88 : memref<!tpu.dma_semaphore, #tpu.memory_space<semaphore_mem>>) {add = true}
      %dma_wait3A_94 = arith.constant 0 : i32
      %dma_wait3A_95 = tpu.memref_slice %arg6[%run_scoped3A_72, %dma_wait3A_94] : memref<4x128xi32, #tpu.memory_space<vmem>> -> memref<1x128xi32, #tpu.memory_space<vmem>>
      %dma_wait3A_96 = tpu.memref_squeeze %dma_wait3A_95 : memref<1x128xi32, #tpu.memory_space<vmem>> -> memref<128xi32, #tpu.memory_space<vmem>>
      %dma_wait3A_97 = arith.constant 0 : i32
      %dma_wait3A_98 = tpu.memref_slice %arg11[%dma_wait3A_97] : memref<8192xf32, #tpu.memory_space<vmem_shared>> -> memref<8192xf32, #tpu.memory_space<vmem_shared>>
      tpu.wait_indirect_dma semaphore(%run_scoped3A_88 : memref<!tpu.dma_semaphore, #tpu.memory_space<semaphore_mem>>) src(%arg9 : memref<128xf32, #tpu.memory_space<vmem>>) dst(%dma_wait3A_98 : memref<8192xf32, #tpu.memory_space<vmem_shared>>)
      tpu.yield
    }) : () -> ()
    %dma_wait3A_73 = arith.constant 3 : i32
    %dma_wait3A_74 = arith.constant 0 : i32
    %dma_wait3A_75 = tpu.memref_slice %arg6[%dma_wait3A_73, %dma_wait3A_74] : memref<4x128xi32, #tpu.memory_space<vmem>> -> memref<1x128xi32, #tpu.memory_space<vmem>>
    %dma_wait3A_76 = tpu.memref_squeeze %dma_wait3A_75 : memref<1x128xi32, #tpu.memory_space<vmem>> -> memref<128xi32, #tpu.memory_space<vmem>>
    %dma_wait3A_77 = arith.constant 0 : i32
    %dma_wait3A_78 = arith.constant 0 : i32
    %dma_wait3A_79 = tpu.memref_slice %arg3[%dma_wait3A_77, %dma_wait3A_78] : memref<8192x256xf32, #tpu.memory_space<hbm>> -> memref<8192x256xf32, #tpu.memory_space<hbm>>
    tpu.wait_indirect_dma semaphore(%arg13 : memref<!tpu.dma_semaphore, #tpu.memory_space<semaphore_mem>>) src(%dma_wait3A_79 : memref<8192x256xf32, #tpu.memory_space<hbm>>) dst(%arg8 : memref<128x256xf32, #tpu.memory_space<vmem>>)
    %add3A_80 = arith.constant 384 : i32
    %add3A_81 = arith.addi %mul3A_2, %add3A_80 : i32
    "tpu.region"() ({
      %run_scoped3A_88 = tpu.sem_alloc : memref<!tpu.dma_semaphore, #tpu.memory_space<semaphore_mem>>
      %dma_start3A_89 = arith.constant 0 : i32
      %dma_start3A_90 = tpu.memref_slice %arg4[%add3A_81, %dma_start3A_89] : memref<16384x256xf32, #tpu.memory_space<hbm>> -> memref<128x256xf32, #tpu.memory_space<hbm>>
      %dma_start3A_91 = arith.constant 0 : i32
      %dma_start3A_92 = tpu.memref_slice %arg4[%add3A_81, %dma_start3A_91] : memref<16384x256xf32, #tpu.memory_space<hbm>> -> memref<128x256xf32, #tpu.memory_space<hbm>>
      tpu.enqueue_dma source(%arg8 : memref<128x256xf32, #tpu.memory_space<vmem>>) target(%dma_start3A_92 : memref<128x256xf32, #tpu.memory_space<hbm>>) target_semaphore(%run_scoped3A_88 : memref<!tpu.dma_semaphore, #tpu.memory_space<semaphore_mem>>)
      %dma_wait3A_93 = arith.constant 0 : i32
      %dma_wait3A_94 = tpu.memref_slice %arg4[%add3A_81, %dma_wait3A_93] : memref<16384x256xf32, #tpu.memory_space<hbm>> -> memref<128x256xf32, #tpu.memory_space<hbm>>
      %dma_wait3A_95 = arith.constant 0 : i32
      %dma_wait3A_96 = tpu.memref_slice %arg4[%add3A_81, %dma_wait3A_95] : memref<16384x256xf32, #tpu.memory_space<hbm>> -> memref<128x256xf32, #tpu.memory_space<hbm>>
      tpu.wait_dma2 semaphore(%run_scoped3A_88 : memref<!tpu.dma_semaphore, #tpu.memory_space<semaphore_mem>>) src(%arg8 : memref<128x256xf32, #tpu.memory_space<vmem>>) dst(%dma_wait3A_96 : memref<128x256xf32, #tpu.memory_space<hbm>>)
      tpu.yield
    }) : () -> ()
    %run_scoped3A_82 = arith.constant 3 : i32
    "tpu.region"() ({
      %run_scoped3A_88 = tpu.sem_alloc : memref<!tpu.dma_semaphore, #tpu.memory_space<semaphore_mem>>
      %dma_start3A_89 = arith.constant 0 : i32
      %dma_start3A_90 = tpu.memref_slice %arg6[%run_scoped3A_82, %dma_start3A_89] : memref<4x128xi32, #tpu.memory_space<vmem>> -> memref<1x128xi32, #tpu.memory_space<vmem>>
      %dma_start3A_91 = tpu.memref_squeeze %dma_start3A_90 : memref<1x128xi32, #tpu.memory_space<vmem>> -> memref<128xi32, #tpu.memory_space<vmem>>
      %dma_start3A_92 = arith.constant 0 : i32
      %dma_start3A_93 = tpu.memref_slice %arg11[%dma_start3A_92] : memref<8192xf32, #tpu.memory_space<vmem_shared>> -> memref<8192xf32, #tpu.memory_space<vmem_shared>>
      tpu.enqueue_indirect_dma source(%arg9 : memref<128xf32, #tpu.memory_space<vmem>>) target(%dma_start3A_93 : memref<8192xf32, #tpu.memory_space<vmem_shared>>) offsets(%dma_start3A_91 : memref<128xi32, #tpu.memory_space<vmem>>) semaphore(%run_scoped3A_88 : memref<!tpu.dma_semaphore, #tpu.memory_space<semaphore_mem>>) {add = true}
      %dma_wait3A_94 = arith.constant 0 : i32
      %dma_wait3A_95 = tpu.memref_slice %arg6[%run_scoped3A_82, %dma_wait3A_94] : memref<4x128xi32, #tpu.memory_space<vmem>> -> memref<1x128xi32, #tpu.memory_space<vmem>>
      %dma_wait3A_96 = tpu.memref_squeeze %dma_wait3A_95 : memref<1x128xi32, #tpu.memory_space<vmem>> -> memref<128xi32, #tpu.memory_space<vmem>>
      %dma_wait3A_97 = arith.constant 0 : i32
      %dma_wait3A_98 = tpu.memref_slice %arg11[%dma_wait3A_97] : memref<8192xf32, #tpu.memory_space<vmem_shared>> -> memref<8192xf32, #tpu.memory_space<vmem_shared>>
      tpu.wait_indirect_dma semaphore(%run_scoped3A_88 : memref<!tpu.dma_semaphore, #tpu.memory_space<semaphore_mem>>) src(%arg9 : memref<128xf32, #tpu.memory_space<vmem>>) dst(%dma_wait3A_98 : memref<8192xf32, #tpu.memory_space<vmem_shared>>)
      tpu.yield
    }) : () -> ()
    %barrier3A_83 = arith.constant 0 : index
    tpu.barrier barrier_id(%barrier3A_83)
    %mul3A_84 = arith.constant 512 : i32
    %mul3A_85 = arith.muli %arg1, %mul3A_84 : i32
    "tpu.region"() ({
      %run_scoped3A_88 = tpu.sem_alloc : memref<!tpu.dma_semaphore, #tpu.memory_space<semaphore_mem>>
      %dma_start3A_89 = tpu.memref_slice %arg11[%mul3A_85] : memref<8192xf32, #tpu.memory_space<vmem_shared>> -> memref<512xf32, #tpu.memory_space<vmem_shared>>
      %dma_start3A_90 = tpu.memref_slice %arg11[%mul3A_85] : memref<8192xf32, #tpu.memory_space<vmem_shared>> -> memref<512xf32, #tpu.memory_space<vmem_shared>>
      tpu.enqueue_dma source(%dma_start3A_90 : memref<512xf32, #tpu.memory_space<vmem_shared>>) target(%arg10 : memref<512xf32, #tpu.memory_space<vmem>>) target_semaphore(%run_scoped3A_88 : memref<!tpu.dma_semaphore, #tpu.memory_space<semaphore_mem>>)
      %dma_wait3A_91 = tpu.memref_slice %arg11[%mul3A_85] : memref<8192xf32, #tpu.memory_space<vmem_shared>> -> memref<512xf32, #tpu.memory_space<vmem_shared>>
      %dma_wait3A_92 = tpu.memref_slice %arg11[%mul3A_85] : memref<8192xf32, #tpu.memory_space<vmem_shared>> -> memref<512xf32, #tpu.memory_space<vmem_shared>>
      tpu.wait_dma2 semaphore(%run_scoped3A_88 : memref<!tpu.dma_semaphore, #tpu.memory_space<semaphore_mem>>) src(%dma_wait3A_92 : memref<512xf32, #tpu.memory_space<vmem_shared>>) dst(%arg10 : memref<512xf32, #tpu.memory_space<vmem>>)
      tpu.yield
    }) : () -> ()
    %mul3A_86 = arith.constant 512 : i32
    %mul3A_87 = arith.muli %arg1, %mul3A_86 : i32
    "tpu.region"() ({
      %run_scoped3A_88 = tpu.sem_alloc : memref<!tpu.dma_semaphore, #tpu.memory_space<semaphore_mem>>
      %dma_start3A_89 = tpu.memref_slice %arg5[%arg0, %mul3A_87] : memref<2x8192xf32, #tpu.memory_space<hbm>> -> memref<1x512xf32, #tpu.memory_space<hbm>>
      %dma_start3A_90 = tpu.memref_squeeze %dma_start3A_89 : memref<1x512xf32, #tpu.memory_space<hbm>> -> memref<512xf32, #tpu.memory_space<hbm>>
      %dma_start3A_91 = tpu.memref_slice %arg5[%arg0, %mul3A_87] : memref<2x8192xf32, #tpu.memory_space<hbm>> -> memref<1x512xf32, #tpu.memory_space<hbm>>
      %dma_start3A_92 = tpu.memref_squeeze %dma_start3A_91 : memref<1x512xf32, #tpu.memory_space<hbm>> -> memref<512xf32, #tpu.memory_space<hbm>>
      tpu.enqueue_dma source(%arg10 : memref<512xf32, #tpu.memory_space<vmem>>) target(%dma_start3A_92 : memref<512xf32, #tpu.memory_space<hbm>>) target_semaphore(%run_scoped3A_88 : memref<!tpu.dma_semaphore, #tpu.memory_space<semaphore_mem>>)
      %dma_wait3A_93 = tpu.memref_slice %arg5[%arg0, %mul3A_87] : memref<2x8192xf32, #tpu.memory_space<hbm>> -> memref<1x512xf32, #tpu.memory_space<hbm>>
      %dma_wait3A_94 = tpu.memref_squeeze %dma_wait3A_93 : memref<1x512xf32, #tpu.memory_space<hbm>> -> memref<512xf32, #tpu.memory_space<hbm>>
      %dma_wait3A_95 = tpu.memref_slice %arg5[%arg0, %mul3A_87] : memref<2x8192xf32, #tpu.memory_space<hbm>> -> memref<1x512xf32, #tpu.memory_space<hbm>>
      %dma_wait3A_96 = tpu.memref_squeeze %dma_wait3A_95 : memref<1x512xf32, #tpu.memory_space<hbm>> -> memref<512xf32, #tpu.memory_space<hbm>>
      tpu.wait_dma2 semaphore(%run_scoped3A_88 : memref<!tpu.dma_semaphore, #tpu.memory_space<semaphore_mem>>) src(%arg10 : memref<512xf32, #tpu.memory_space<vmem>>) dst(%dma_wait3A_96 : memref<512xf32, #tpu.memory_space<hbm>>)
      tpu.yield
    }) : () -> ()
    return
  }
}

module attributes {stable_mosaic.version = 14 : i64} {
  func.func @_dist_body(%arg0: i32, %arg1: i32, %arg2: memref<256x256xf32, #tpu.memory_space<vmem>>, %arg3: memref<256x16384xf32, #tpu.memory_space<vmem>>, %arg4: memref<1x16384xf32, #tpu.memory_space<vmem>>, %arg5: memref<256x1xf32, #tpu.memory_space<vmem>>, %arg6: memref<1x1x16384xi32, #tpu.memory_space<vmem>>, %arg7: memref<1x1x16384xf32, #tpu.memory_space<vmem>>, %arg8: memref<1x16384xf32, #tpu.memory_space<vmem>>, %arg9: memref<1x16384xi32, #tpu.memory_space<vmem>>, %arg10: memref<1x16384xf32, #tpu.memory_space<vmem>>, %arg11: memref<1x16384xi32, #tpu.memory_space<vmem>>, %arg12: memref<1x16384xf32, #tpu.memory_space<vmem>>) attributes {dimension_semantics = [#tpu.dimension_semantics<arbitrary>, #tpu.dimension_semantics<arbitrary>], iteration_bounds = array<i64: 1, 32>, scalar_prefetch = 0 : i64, scratch_operands = 5 : i64, tpu.core_type = #tpu.core_type<tc>, window_params = [{transform_indices = @transform_0, window_bounds = array<i64: 256, 256>}, {transform_indices = @transform_1, window_bounds = array<i64: 256, 16384>}, {transform_indices = @transform_2, window_bounds = array<i64: 1, 16384>}, {transform_indices = @transform_3, window_bounds = array<i64: 256, 1>}, {transform_indices = @transform_4, window_bounds = array<i64: 1, 1, 16384>}, {transform_indices = @transform_5, window_bounds = array<i64: 1, 1, 16384>}]} {
    %get3A = arith.constant 0 : index
    %get3A_0 = arith.constant 0 : index
    %get3A_1 = vector.load %arg2[%get3A, %get3A_0] : memref<256x256xf32, #tpu.memory_space<vmem>>, vector<256x256xf32>
    %get3A_2 = arith.constant 0 : index
    %get3A_3 = arith.constant 0 : index
    %get3A_4 = vector.load %arg3[%get3A_2, %get3A_3] : memref<256x16384xf32, #tpu.memory_space<vmem>>, vector<256x16384xf32>
    %dot_general3A = arith.constant dense<0.000000e+00> : vector<256x16384xf32>
    %dot_general3A_5 = tpu.matmul %get3A_1, %get3A_4, %dot_general3A {dimension_numbers = #tpu.dot_dimension_numbers<[1], [0], [0], [1], [0, 0, 1, 1], [], []>, transpose_lhs_hint = false} : vector<256x256xf32>, vector<256x16384xf32>, vector<256x16384xf32> -> vector<256x16384xf32>
    %get3A_6 = arith.constant 0 : index
    %get3A_7 = arith.constant 0 : index
    %get3A_8 = vector.load %arg4[%get3A_6, %get3A_7] : memref<1x16384xf32, #tpu.memory_space<vmem>>, vector<1x16384xf32>
    %get3A_9 = arith.constant 0 : index
    %get3A_10 = arith.constant 0 : index
    %get3A_11 = vector.load %arg5[%get3A_9, %get3A_10] : memref<256x1xf32, #tpu.memory_space<vmem>>, vector<256x1xf32>
    %add3A = vector.broadcast %get3A_8 : vector<1x16384xf32> to vector<256x16384xf32>
    %add3A_12 = vector.broadcast %get3A_11 : vector<256x1xf32> to vector<256x16384xf32>
    %add3A_13 = arith.addf %add3A, %add3A_12 : vector<256x16384xf32>
    %mul3A = arith.constant 2.000000e+00 : f32
    %mul3A_14 = vector.broadcast %mul3A : f32 to vector<256x16384xf32>
    %mul3A_15 = arith.mulf %mul3A_14, %dot_general3A_5 : vector<256x16384xf32>
    %sub3A = arith.subf %add3A_13, %mul3A_15 : vector<256x16384xf32>
    %reduce_min3A = arith.constant dense<0x7F800000> : vector<16384xf32>
    %reduce_min3A_16 = vector.multi_reduction <minimumf>, %sub3A, %reduce_min3A [0] : vector<256x16384xf32> to vector<16384xf32>
    %broadcast_in_dim3A = vector.shape_cast %reduce_min3A_16 : vector<16384xf32> to vector<1x16384xf32>
    %iota3A = tpu.iota {dimensions = array<i32: 0>} : vector<256x16384xi32>
    %mul3A_17 = arith.constant 256 : i32
    %mul3A_18 = arith.muli %arg1, %mul3A_17 : i32
    %add3A_19 = vector.broadcast %mul3A_18 : i32 to vector<256x16384xi32>
    %add3A_20 = arith.addi %iota3A, %add3A_19 : vector<256x16384xi32>
    %eq3A = vector.broadcast %broadcast_in_dim3A : vector<1x16384xf32> to vector<256x16384xf32>
    %eq3A_21 = arith.cmpf oeq, %sub3A, %eq3A : vector<256x16384xf32>
    %jit3A = arith.constant 1073741824 : i32
    %broadcast_in_dim3A_22 = vector.broadcast %jit3A : i32 to vector<256x16384xi32>
    %select_n3A = arith.select %eq3A_21, %add3A_20, %broadcast_in_dim3A_22 : vector<256x16384xi1>, vector<256x16384xi32>
    %reduce_min3A_23 = arith.constant dense<2147483647> : vector<16384xi32>
    %reduce_min3A_24 = vector.multi_reduction <minsi>, %select_n3A, %reduce_min3A_23 [0] : vector<256x16384xi32> to vector<16384xi32>
    %broadcast_in_dim3A_25 = vector.shape_cast %reduce_min3A_24 : vector<16384xi32> to vector<1x16384xi32>
    %eq3A_26 = arith.constant 0 : i32
    %eq3A_27 = arith.cmpi eq, %arg1, %eq3A_26 : i32
    %eq3A_28 = arith.constant 11 : i32
    %eq3A_29 = arith.cmpi eq, %arg1, %eq3A_28 : i32
    %or3A = arith.ori %eq3A_27, %eq3A_29 : i1
    %eq3A_30 = arith.constant 22 : i32
    %eq3A_31 = arith.cmpi eq, %arg1, %eq3A_30 : i32
    %or3A_32 = arith.ori %or3A, %eq3A_31 : i1
    %convert_element_type3A = arith.extui %or3A_32 : i1 to i32
    %cond3A = arith.constant 0 : i32
    %cond3A_33 = arith.cmpi ne, %convert_element_type3A, %cond3A : i32
    scf.if %cond3A_33 {
      %swap3A = arith.constant 0 : index
      %swap3A_56 = arith.constant 0 : index
      %swap3A_57 = vector.load %arg8[%swap3A, %swap3A_56] : memref<1x16384xf32, #tpu.memory_space<vmem>>, vector<1x16384xf32>
      tpu.vector_store %arg8[%swap3A, %swap3A_56], %broadcast_in_dim3A {strides = array<i32>} : memref<1x16384xf32, #tpu.memory_space<vmem>>, vector<1x16384xf32>,
      %swap3A_58 = arith.constant 0 : index
      %swap3A_59 = arith.constant 0 : index
      %swap3A_60 = vector.load %arg9[%swap3A_58, %swap3A_59] : memref<1x16384xi32, #tpu.memory_space<vmem>>, vector<1x16384xi32>
      tpu.vector_store %arg9[%swap3A_58, %swap3A_59], %broadcast_in_dim3A_25 {strides = array<i32>} : memref<1x16384xi32, #tpu.memory_space<vmem>>, vector<1x16384xi32>,
    } else {
    }
    %not3A = arith.constant true
    %not3A_34 = arith.xori %or3A_32, %not3A : i1
    %convert_element_type3A_35 = arith.extui %not3A_34 : i1 to i32
    %cond3A_36 = arith.constant 0 : i32
    %cond3A_37 = arith.cmpi ne, %convert_element_type3A_35, %cond3A_36 : i32
    scf.if %cond3A_37 {
      %get3A_56 = arith.constant 0 : index
      %get3A_57 = arith.constant 0 : index
      %get3A_58 = vector.load %arg8[%get3A_56, %get3A_57] : memref<1x16384xf32, #tpu.memory_space<vmem>>, vector<1x16384xf32>
      %lt3A = arith.cmpf olt, %broadcast_in_dim3A, %get3A_58 : vector<1x16384xf32>
      %get3A_59 = arith.constant 0 : index
      %get3A_60 = arith.constant 0 : index
      %get3A_61 = vector.load %arg8[%get3A_59, %get3A_60] : memref<1x16384xf32, #tpu.memory_space<vmem>>, vector<1x16384xf32>
      %select_n3A_62 = arith.select %lt3A, %broadcast_in_dim3A, %get3A_61 : vector<1x16384xi1>, vector<1x16384xf32>
      %swap3A = arith.constant 0 : index
      %swap3A_63 = arith.constant 0 : index
      %swap3A_64 = vector.load %arg8[%swap3A, %swap3A_63] : memref<1x16384xf32, #tpu.memory_space<vmem>>, vector<1x16384xf32>
      tpu.vector_store %arg8[%swap3A, %swap3A_63], %select_n3A_62 {strides = array<i32>} : memref<1x16384xf32, #tpu.memory_space<vmem>>, vector<1x16384xf32>,
      %get3A_65 = arith.constant 0 : index
      %get3A_66 = arith.constant 0 : index
      %get3A_67 = vector.load %arg9[%get3A_65, %get3A_66] : memref<1x16384xi32, #tpu.memory_space<vmem>>, vector<1x16384xi32>
      %select_n3A_68 = arith.select %lt3A, %broadcast_in_dim3A_25, %get3A_67 : vector<1x16384xi1>, vector<1x16384xi32>
      %swap3A_69 = arith.constant 0 : index
      %swap3A_70 = arith.constant 0 : index
      %swap3A_71 = vector.load %arg9[%swap3A_69, %swap3A_70] : memref<1x16384xi32, #tpu.memory_space<vmem>>, vector<1x16384xi32>
      tpu.vector_store %arg9[%swap3A_69, %swap3A_70], %select_n3A_68 {strides = array<i32>} : memref<1x16384xi32, #tpu.memory_space<vmem>>, vector<1x16384xi32>,
    } else {
    }
    %eq3A_38 = arith.constant 10 : i32
    %eq3A_39 = arith.cmpi eq, %arg1, %eq3A_38 : i32
    %convert_element_type3A_40 = arith.extui %eq3A_39 : i1 to i32
    %cond3A_41 = arith.constant 0 : i32
    %cond3A_42 = arith.cmpi ne, %convert_element_type3A_40, %cond3A_41 : i32
    scf.if %cond3A_42 {
      %get3A_56 = arith.constant 0 : index
      %get3A_57 = arith.constant 0 : index
      %get3A_58 = vector.load %arg8[%get3A_56, %get3A_57] : memref<1x16384xf32, #tpu.memory_space<vmem>>, vector<1x16384xf32>
      %convert_element_type3A_59 = arith.truncf %get3A_58 : vector<1x16384xf32> to vector<1x16384xbf16>
      %convert_element_type3A_60 = arith.extf %convert_element_type3A_59 : vector<1x16384xbf16> to vector<1x16384xf32>
      %swap3A = arith.constant 0 : index
      %swap3A_61 = arith.constant 0 : index
      %swap3A_62 = vector.load %arg10[%swap3A, %swap3A_61] : memref<1x16384xf32, #tpu.memory_space<vmem>>, vector<1x16384xf32>
      tpu.vector_store %arg10[%swap3A, %swap3A_61], %convert_element_type3A_60 {strides = array<i32>} : memref<1x16384xf32, #tpu.memory_space<vmem>>, vector<1x16384xf32>,
      %get3A_63 = arith.constant 0 : index
      %get3A_64 = arith.constant 0 : index
      %get3A_65 = vector.load %arg9[%get3A_63, %get3A_64] : memref<1x16384xi32, #tpu.memory_space<vmem>>, vector<1x16384xi32>
      %swap3A_66 = arith.constant 0 : index
      %swap3A_67 = arith.constant 0 : index
      %swap3A_68 = vector.load %arg11[%swap3A_66, %swap3A_67] : memref<1x16384xi32, #tpu.memory_space<vmem>>, vector<1x16384xi32>
      tpu.vector_store %arg11[%swap3A_66, %swap3A_67], %get3A_65 {strides = array<i32>} : memref<1x16384xi32, #tpu.memory_space<vmem>>, vector<1x16384xi32>,
      %get3A_69 = arith.constant 0 : index
      %get3A_70 = arith.constant 0 : index
      %get3A_71 = vector.load %arg8[%get3A_69, %get3A_70] : memref<1x16384xf32, #tpu.memory_space<vmem>>, vector<1x16384xf32>
      %swap3A_72 = arith.constant 0 : index
      %swap3A_73 = arith.constant 0 : index
      %swap3A_74 = vector.load %arg12[%swap3A_72, %swap3A_73] : memref<1x16384xf32, #tpu.memory_space<vmem>>, vector<1x16384xf32>
      tpu.vector_store %arg12[%swap3A_72, %swap3A_73], %get3A_71 {strides = array<i32>} : memref<1x16384xf32, #tpu.memory_space<vmem>>, vector<1x16384xf32>,
    } else {
    }
    %eq3A_43 = arith.constant 21 : i32
    %eq3A_44 = arith.cmpi eq, %arg1, %eq3A_43 : i32
    %eq3A_45 = arith.constant 31 : i32
    %eq3A_46 = arith.cmpi eq, %arg1, %eq3A_45 : i32
    %or3A_47 = arith.ori %eq3A_44, %eq3A_46 : i1
    %convert_element_type3A_48 = arith.extui %or3A_47 : i1 to i32
    %cond3A_49 = arith.constant 0 : i32
    %cond3A_50 = arith.cmpi ne, %convert_element_type3A_48, %cond3A_49 : i32
    scf.if %cond3A_50 {
      %get3A_56 = arith.constant 0 : index
      %get3A_57 = arith.constant 0 : index
      %get3A_58 = vector.load %arg10[%get3A_56, %get3A_57] : memref<1x16384xf32, #tpu.memory_space<vmem>>, vector<1x16384xf32>
      %get3A_59 = arith.constant 0 : index
      %get3A_60 = arith.constant 0 : index
      %get3A_61 = vector.load %arg11[%get3A_59, %get3A_60] : memref<1x16384xi32, #tpu.memory_space<vmem>>, vector<1x16384xi32>
      %get3A_62 = arith.constant 0 : index
      %get3A_63 = arith.constant 0 : index
      %get3A_64 = vector.load %arg8[%get3A_62, %get3A_63] : memref<1x16384xf32, #tpu.memory_space<vmem>>, vector<1x16384xf32>
      %get3A_65 = arith.constant 0 : index
      %get3A_66 = arith.constant 0 : index
      %get3A_67 = vector.load %arg9[%get3A_65, %get3A_66] : memref<1x16384xi32, #tpu.memory_space<vmem>>, vector<1x16384xi32>
      %lt3A = arith.cmpf olt, %get3A_58, %get3A_64 : vector<1x16384xf32>
      %eq3A_68 = arith.cmpf oeq, %get3A_58, %get3A_64 : vector<1x16384xf32>
      %lt3A_69 = arith.cmpi slt, %get3A_61, %get3A_67 : vector<1x16384xi32>
      %and3A = arith.andi %eq3A_68, %lt3A_69 : vector<1x16384xi1>
      %or3A_70 = arith.ori %lt3A, %and3A : vector<1x16384xi1>
      %select_n3A_71 = arith.select %or3A_70, %get3A_61, %get3A_67 : vector<1x16384xi1>, vector<1x16384xi32>
      %swap3A = arith.constant 0 : index
      %swap3A_72 = arith.constant 0 : index
      %swap3A_73 = vector.load %arg11[%swap3A, %swap3A_72] : memref<1x16384xi32, #tpu.memory_space<vmem>>, vector<1x16384xi32>
      tpu.vector_store %arg11[%swap3A, %swap3A_72], %select_n3A_71 {strides = array<i32>} : memref<1x16384xi32, #tpu.memory_space<vmem>>, vector<1x16384xi32>,
      %get3A_74 = arith.constant 0 : index
      %get3A_75 = arith.constant 0 : index
      %get3A_76 = vector.load %arg12[%get3A_74, %get3A_75] : memref<1x16384xf32, #tpu.memory_space<vmem>>, vector<1x16384xf32>
      %select_n3A_77 = arith.select %or3A_70, %get3A_76, %get3A_64 : vector<1x16384xi1>, vector<1x16384xf32>
      %swap3A_78 = arith.constant 0 : index
      %swap3A_79 = arith.constant 0 : index
      %swap3A_80 = vector.load %arg12[%swap3A_78, %swap3A_79] : memref<1x16384xf32, #tpu.memory_space<vmem>>, vector<1x16384xf32>
      tpu.vector_store %arg12[%swap3A_78, %swap3A_79], %select_n3A_77 {strides = array<i32>} : memref<1x16384xf32, #tpu.memory_space<vmem>>, vector<1x16384xf32>,
      %select_n3A_81 = arith.select %or3A_70, %get3A_58, %get3A_64 : vector<1x16384xi1>, vector<1x16384xf32>
      %convert_element_type3A_82 = arith.truncf %select_n3A_81 : vector<1x16384xf32> to vector<1x16384xbf16>
      %convert_element_type3A_83 = arith.extf %convert_element_type3A_82 : vector<1x16384xbf16> to vector<1x16384xf32>
      %swap3A_84 = arith.constant 0 : index
      %swap3A_85 = arith.constant 0 : index
      %swap3A_86 = vector.load %arg10[%swap3A_84, %swap3A_85] : memref<1x16384xf32, #tpu.memory_space<vmem>>, vector<1x16384xf32>
      tpu.vector_store %arg10[%swap3A_84, %swap3A_85], %convert_element_type3A_83 {strides = array<i32>} : memref<1x16384xf32, #tpu.memory_space<vmem>>, vector<1x16384xf32>,
    } else {
    }
    %eq3A_51 = arith.constant 31 : i32
    %eq3A_52 = arith.cmpi eq, %arg1, %eq3A_51 : i32
    %convert_element_type3A_53 = arith.extui %eq3A_52 : i1 to i32
    %cond3A_54 = arith.constant 0 : i32
    %cond3A_55 = arith.cmpi ne, %convert_element_type3A_53, %cond3A_54 : i32
    scf.if %cond3A_55 {
      %get3A_56 = arith.constant 0 : index
      %get3A_57 = arith.constant 0 : index
      %get3A_58 = vector.load %arg11[%get3A_56, %get3A_57] : memref<1x16384xi32, #tpu.memory_space<vmem>>, vector<1x16384xi32>
      %reshape3A = vector.shape_cast %get3A_58 : vector<1x16384xi32> to vector<1x1x16384xi32>
      %swap3A = arith.constant 0 : index
      %swap3A_59 = arith.constant 0 : index
      %swap3A_60 = arith.constant 0 : index
      %swap3A_61 = vector.load %arg6[%swap3A, %swap3A_59, %swap3A_60] : memref<1x1x16384xi32, #tpu.memory_space<vmem>>, vector<1x1x16384xi32>
      tpu.vector_store %arg6[%swap3A, %swap3A_59, %swap3A_60], %reshape3A {strides = array<i32>} : memref<1x1x16384xi32, #tpu.memory_space<vmem>>, vector<1x1x16384xi32>,
      %get3A_62 = arith.constant 0 : index
      %get3A_63 = arith.constant 0 : index
      %get3A_64 = vector.load %arg12[%get3A_62, %get3A_63] : memref<1x16384xf32, #tpu.memory_space<vmem>>, vector<1x16384xf32>
      %reshape3A_65 = vector.shape_cast %get3A_64 : vector<1x16384xf32> to vector<1x1x16384xf32>
      %swap3A_66 = arith.constant 0 : index
      %swap3A_67 = arith.constant 0 : index
      %swap3A_68 = arith.constant 0 : index
      %swap3A_69 = vector.load %arg7[%swap3A_66, %swap3A_67, %swap3A_68] : memref<1x1x16384xf32, #tpu.memory_space<vmem>>, vector<1x1x16384xf32>
      tpu.vector_store %arg7[%swap3A_66, %swap3A_67, %swap3A_68], %reshape3A_65 {strides = array<i32>} : memref<1x1x16384xf32, #tpu.memory_space<vmem>>, vector<1x1x16384xf32>,
    } else {
    }
    return
  }
  func.func @transform_0(%arg0: i32, %arg1: i32) -> (i32, i32) {
    %c0_i32 = arith.constant 0 : i32
    %c0_i32_0 = arith.constant 0 : i32
    return %arg1, %c0_i32 : i32, i32
  }
  func.func @transform_1(%arg0: i32, %arg1: i32) -> (i32, i32) {
    %c0_i32 = arith.constant 0 : i32
    %c0_i32_0 = arith.constant 0 : i32
    return %c0_i32, %arg0 : i32, i32
  }
  func.func @transform_2(%arg0: i32, %arg1: i32) -> (i32, i32) {
    %c0_i32 = arith.constant 0 : i32
    %c0_i32_0 = arith.constant 0 : i32
    return %c0_i32, %arg0 : i32, i32
  }
  func.func @transform_3(%arg0: i32, %arg1: i32) -> (i32, i32) {
    %c0_i32 = arith.constant 0 : i32
    %c0_i32_0 = arith.constant 0 : i32
    return %arg1, %c0_i32 : i32, i32
  }
  func.func @transform_4(%arg0: i32, %arg1: i32) -> (i32, i32, i32) {
    %c0_i32 = arith.constant 0 : i32
    %c0_i32_0 = arith.constant 0 : i32
    %c0_i32_1 = arith.constant 0 : i32
    return %arg0, %c0_i32, %c0_i32_0 : i32, i32, i32
  }
  func.func @transform_5(%arg0: i32, %arg1: i32) -> (i32, i32, i32) {
    %c0_i32 = arith.constant 0 : i32
    %c0_i32_0 = arith.constant 0 : i32
    %c0_i32_1 = arith.constant 0 : i32
    return %arg0, %c0_i32, %c0_i32_0 : i32, i32, i32
  }
}

module attributes {stable_mosaic.version = 14 : i64} {
  func.func @_finalize_body(%arg0: memref<128x128xf32, #tpu.memory_space<vmem>>, %arg1: memref<128x128xf32, #tpu.memory_space<vmem>>, %arg2: memref<1x1xf32, #tpu.memory_space<smem>>, %arg3: memref<1x1xf32, #tpu.memory_space<smem>>) attributes {dimension_semantics = [], scalar_prefetch = 0 : i64, scratch_operands = 0 : i64, tpu.core_type = #tpu.core_type<tc>} {
    %get3A = arith.constant 0 : index
    %get3A_0 = arith.constant 0 : index
    %get3A_1 = vector.load %arg0[%get3A, %get3A_0] : memref<128x128xf32, #tpu.memory_space<vmem>>, vector<128x128xf32>
    %reduce_sum3A = vector.shape_cast %get3A_1 : vector<128x128xf32> to vector<1x128x128xf32>
    %reduce_sum3A_2 = arith.constant dense<0.000000e+00> : vector<1xf32>
    %reduce_sum3A_3 = vector.multi_reduction <add>, %reduce_sum3A, %reduce_sum3A_2 [1, 2] : vector<1x128x128xf32> to vector<1xf32>
    %reduce_sum3A_4 = vector.shape_cast %reduce_sum3A_3 : vector<1xf32> to vector<1x1x1xf32>
    %reduce_sum3A_5 = vector.extract %reduce_sum3A_4[0, 0, 0] : f32 from vector<1x1x1xf32>
    %mul3A = arith.constant 5.96046448E-8 : f32
    %mul3A_6 = arith.mulf %mul3A, %reduce_sum3A_5 : f32
    %swap3A = arith.constant 0 : index
    %swap3A_7 = arith.constant 0 : index
    %swap3A_8 = memref.load %arg2[%swap3A, %swap3A_7] : memref<1x1xf32, #tpu.memory_space<smem>>
    memref.store %mul3A_6, %arg2[%swap3A, %swap3A_7] : memref<1x1xf32, #tpu.memory_space<smem>>
    %get3A_9 = arith.constant 0 : index
    %get3A_10 = arith.constant 0 : index
    %get3A_11 = vector.load %arg1[%get3A_9, %get3A_10] : memref<128x128xf32, #tpu.memory_space<vmem>>, vector<64x128xf32>
    %get3A_12 = arith.constant 64 : index
    %get3A_13 = arith.constant 0 : index
    %get3A_14 = vector.load %arg1[%get3A_12, %get3A_13] : memref<128x128xf32, #tpu.memory_space<vmem>>, vector<64x128xf32>
    %add3A = arith.addf %get3A_11, %get3A_14 : vector<64x128xf32>
    %mul3A_15 = arith.constant 6.10351563E-5 : f32
    %mul3A_16 = vector.broadcast %mul3A_15 : f32 to vector<64x128xf32>
    %mul3A_17 = arith.mulf %add3A, %mul3A_16 : vector<64x128xf32>
    %add3A_18 = arith.constant 1.000000e-10 : f32
    %add3A_19 = vector.broadcast %add3A_18 : f32 to vector<64x128xf32>
    %add3A_20 = arith.addf %mul3A_17, %add3A_19 : vector<64x128xf32>
    %log3A = math.log %add3A_20 : vector<64x128xf32>
    %mul3A_21 = arith.mulf %mul3A_17, %log3A : vector<64x128xf32>
    %reduce_sum3A_22 = vector.shape_cast %mul3A_21 : vector<64x128xf32> to vector<1x64x128xf32>
    %reduce_sum3A_23 = arith.constant dense<0.000000e+00> : vector<1xf32>
    %reduce_sum3A_24 = vector.multi_reduction <add>, %reduce_sum3A_22, %reduce_sum3A_23 [1, 2] : vector<1x64x128xf32> to vector<1xf32>
    %reduce_sum3A_25 = vector.shape_cast %reduce_sum3A_24 : vector<1xf32> to vector<1x1x1xf32>
    %reduce_sum3A_26 = vector.extract %reduce_sum3A_25[0, 0, 0] : f32 from vector<1x1x1xf32>
    %neg3A = arith.constant 0.000000e+00 : f32
    %neg3A_27 = arith.subf %neg3A, %reduce_sum3A_26 : f32
    %exp3A = math.exp %neg3A_27 : f32
    %swap3A_28 = arith.constant 0 : index
    %swap3A_29 = arith.constant 0 : index
    %swap3A_30 = memref.load %arg3[%swap3A_28, %swap3A_29] : memref<1x1xf32, #tpu.memory_space<smem>>
    memref.store %exp3A, %arg3[%swap3A_28, %swap3A_29] : memref<1x1xf32, #tpu.memory_space<smem>>
    return
  }
}

</mosaic_0001>

<sc_bundles>
// kernel: kernel.5.cloned.1.call-start
scs
__scs_entry_jumppad:
0x0: {  	(pc) =	sbr.rel $0x88, $3  }
0x1: {  	(tag) =	ssettag $0x0;
	lr =	simm.s32 $0x1  }
0x2: {  	[smem:$0x3F9F] =	sst lr;
	_ =	strace $0xD0000000  }
0x3: {  	_ = 	snop  }
0x4: {  	_ = 	snop  }
0x5: {  	_ = 	snop  }
0x6: {  	_ = 	snop  }
0x7: {  	_ = 	snop  }
__scs_overlays_trampoline_lowered:
0x8: {  	[smem:$0x3FAE] =	sst s0  }
0x9: {  	[smem:$0x3FAF] =	sst s1  }
0xa: {  	[smem:$0x3FB0] =	sst s2  }
0xb: {  	[smem:$0x3FB1] =	sst s3  }
0xc: {  	[smem:$0x3FB2] =	sst s4  }
0xd: {  	[smem:$0x3FB3] =	sst s5  }
0xe: {  	[smem:$0x3FB4] =	sst s6  }
0xf: {  	[smem:$0x3FB5] =	sst s7  }
0x10: {  	[smem:$0x3FB6] =	sst s8  }
0x11: {  	[smem:$0x3FB7] =	sst s9;
	s0 =	simm.s32 @!p0 $0x0  }
0x12: {  	s1 =	sld [smem:$0x3F9D];
	s0 =	simm.s32 @p0 $0x1  }
0x13: {  	[smem:$0x3FB8] =	sst s0;
	s0 =	simm.s32 @!p1 $0x0  }
0x14: {  	s2 =	sld [smem:$0x3F9C];
	s0 =	simm.s32 @p1 $0x1  }
0x15: {  	[smem:$0x3FB9] =	sst s0;
	s0 =	simm.s32 @!p2 $0x0  }
0x16: {  	s3 =	sld [smem:$0x3FDB];
	s0 =	simm.s32 @p2 $0x1  }
0x17: {  	s4 =	simm.s32 $0x1BF5;
	[smem:$0x3FBB] =	sst s0  }
0x18: {  	s0 =	sld [smem:$0x3F9E];
	_ =	swait.ge [sflag:s4], $0x0  }
0x19: {  	s7 =	sld [smem:$0x3F9F]  }
0x1a: {  	s8 =	sadd.s32 $0xFFFFE003, lr  }
0x1b: {  	s9 =	sadd.s32 $0xFFFFFEF7, lr;
	s5 =	simm.s32 $0xFFFFFFFF;
	p2 =	slt.u32 s8, $0xFFFFF086  }
0x1c: {  	p1 =	slt.u32 s9, $0xF7A;
	s5 =	simm.s32 @!p2 $0x0  }
0x1d: {  	s5 =	simm.s32 @p1 $0x1;
	p0 =	seq.s32 s7, s2  }
0x1e: {  	s7 =	smul.u32 @!p0 $0xF7A, s2;
	p2 =	seq.s32 @!p0 s5, $0x0  }
0x1f: {  	s9 =	smul.u32 $0xF7A, s1;
	s8 =	simm.s32 @!p0 $0x1BF5;
	p2 =	por !p2, p0  }
0x20: {  	[sflag:s8] =	ssyncset.s32 @!p0 $0xFFFFF086;
	s6 =	sadd.s32 @!p0 s3, s7;
	s7 =	simm.s32 @!p0 $0x108  }
0x21: {  	s3 =	sadd.s32 s3, s9;
	s6 =	sadd.s32 @!p0 $0x88, s6;
	s7 =	simm.s32 @p2 $0x1082  }
0x22: {  	[simem:s7], [sflag:s8] =	dma.local @!p0 [hbm:s6], $0xF7A  }
0x23: {  	s9 =	sor.u32 $0xD0000000, s2;
	s6 =	simm.s32 $0x108;
	_ =	swait.ge @!p0 [sflag:s8], $0x0  }
0x24: {  	s3 =	sadd.s32 $0x88, s3;
	s6 =	simm.s32 @!p1 $0x1082;
	[sflag:s4] =	ssyncset.s32 $0xFFFFF086  }
0x25: {  	[simem:s6], [sflag:s4] =	dma.local [hbm:s3], $0xF7A  }
0x26: {  	[smem:$0x3F9F] =	sst s1;
	(tag) =	ssettag s2;
	_ =	strace s9  }
0x27: {  	s1 =	sld [smem:$0x3FAF]  }
0x28: {  	s2 =	sld [smem:$0x3FB0]  }
0x29: {  	s4 =	sld [smem:$0x3FB2]  }
0x2a: {  	p0 =	seq.s32 s5, $0x0;
	s5 =	sld [smem:$0x3FB3]  }
0x2b: {  	s6 =	sld [smem:$0x3FB4]  }
0x2c: {  	s7 =	sld [smem:$0x3FB5]  }
0x2d: {  	s3 =	simm.s32 $0x108;
	s8 =	sld [smem:$0x3FB6]  }
0x2e: {  	s3 =	simm.s32 @!p0 $0x1082;
	s9 =	sld [smem:$0x3FB7]  }
0x2f: {  	lr =	sadd.s32 s0, s3;
	s0 =	sld [smem:$0x3FAE]  }
0x30: {  	s3 =	sld [smem:$0x3FB1]  }
0x31: {  	[smem:$0x3FBA] =	sst s10  }
0x32: {  	s10 =	sld [smem:$0x3FB8];
	_ =	sdelay $0x3  }
0x33: {  	p0 =	seq.s32 s10, $0x1;
	s10 =	sld [smem:$0x3FBA];
	_ =	sdelay $0x3  }
0x34: {  	[smem:$0x3FBA] =	sst s10  }
0x35: {  	s10 =	sld [smem:$0x3FB9];
	_ =	sdelay $0x3  }
0x36: {  	p1 =	seq.s32 s10, $0x1;
	s10 =	sld [smem:$0x3FBA];
	_ =	sdelay $0x3  }
0x37: {  	[smem:$0x3FBA] =	sst s10  }
0x38: {  	s10 =	sld [smem:$0x3FBB]  }
0x39: {  	_ = 	snop;
	(pc) =	sbr.ind lr, $3  }
0x3a: {  	_ = 	snop  }
0x3b: {  	_ = 	snop  }
0x3c: {  	p2 =	seq.s32 s10, $0x1;
	s10 =	sld [smem:$0x3FBA]  }
0x3d: {  	_ =	shalt  }
0x3e: {  	_ =	shalt  }
0x3f: {  	_ =	shalt  }
0x40: {  	_ =	shalt  }
0x41: {  	_ =	shalt  }
0x42: {  	_ =	shalt  }
0x43: {  	_ =	shalt  }
0x44: {  	_ =	shalt  }
0x45: {  	_ =	shalt  }
0x46: {  	_ =	shalt  }
0x47: {  	_ =	shalt  }
0x48: {  	_ =	shalt  }
0x49: {  	_ =	shalt  }
0x4a: {  	_ =	shalt  }
0x4b: {  	_ =	shalt  }
0x4c: {  	_ =	shalt  }
0x4d: {  	_ =	shalt  }
0x4e: {  	_ =	shalt  }
0x4f: {  	_ =	shalt  }
0x50: {  	_ =	shalt  }
0x51: {  	_ =	shalt  }
0x52: {  	_ =	shalt  }
0x53: {  	_ =	shalt  }
0x54: {  	_ =	shalt  }
0x55: {  	_ =	shalt  }
0x56: {  	_ =	shalt  }
0x57: {  	_ =	shalt  }
0x58: {  	_ =	shalt  }
0x59: {  	_ =	shalt  }
0x5a: {  	_ =	shalt  }
0x5b: {  	_ =	shalt  }
0x5c: {  	_ =	shalt  }
0x5d: {  	_ =	shalt  }
0x5e: {  	_ =	shalt  }
0x5f: {  	_ =	shalt  }
0x60: {  	_ =	shalt  }
0x61: {  	_ =	shalt  }
0x62: {  	_ =	shalt  }
0x63: {  	_ =	shalt  }
0x64: {  	_ =	shalt  }
0x65: {  	_ =	shalt  }
0x66: {  	_ =	shalt  }
0x67: {  	_ =	shalt  }
0x68: {  	_ =	shalt  }
0x69: {  	_ =	shalt  }
0x6a: {  	_ =	shalt  }
0x6b: {  	_ =	shalt  }
0x6c: {  	_ =	shalt  }
0x6d: {  	_ =	shalt  }
0x6e: {  	_ =	shalt  }
0x6f: {  	_ =	shalt  }
0x70: {  	_ =	shalt  }
0x71: {  	_ =	shalt  }
0x72: {  	_ =	shalt  }
0x73: {  	_ =	shalt  }
0x74: {  	_ =	shalt  }
0x75: {  	_ =	shalt  }
0x76: {  	_ =	shalt  }
0x77: {  	_ =	shalt  }
0x78: {  	_ =	shalt  }
0x79: {  	_ =	shalt  }
0x7a: {  	_ =	shalt  }
0x7b: {  	_ =	shalt  }
0x7c: {  	_ =	shalt  }
0x7d: {  	_ =	shalt  }
0x7e: {  	_ =	shalt  }
0x7f: {  	_ =	shalt  }
0x80: {  	_ =	shalt  }
0x81: {  	_ =	shalt  }
0x82: {  	_ =	shalt  }
0x83: {  	_ =	shalt  }
0x84: {  	_ =	shalt  }
0x85: {  	_ =	shalt  }
0x86: {  	_ =	shalt  }
0x87: {  	_ =	shalt  }
.Lfunc_end0:
.L_simem_size_0:
called_computation_lowered:
.L_overlay_start_0:
0x88: {  	s2 =	sld [smem:$0x3FD9]  }
0x89: {  	s3 =	sld [smem:$0x3FFE];
	_ =	sdelay $0x1  }
0x8a: {  	s1 =	srdreg.scid  }
0x8b: {  	s0 =	sand.u32 $0x1, s1  }
0x8c: {  	s14 =	sshll.u32 s0, $0xA;
	s2 =	sadd.s32 s3, s2  }
0x8d: {  	s2 =	sadd.s32 s2, s14  }
0x8e: {  	[smem:$0x3FC6] =	sst s2  }
0x8f: {  	_ = 	snop  }
0x90: {  	s2 =	sld [smem:$0x3FD0];
	_ =	sdelay $0x2  }
0x91: {  	s15 =	simm.s32 $0xA;
	s4 =	simm.s32 $0x10  }
0x92: {  	[smem:s4], [sflag:s15] =	dma.local [hbm:s2], $0x1  }
0x93: {  	_ =	swait.eq [sflag:s15], $0x1  }
0x94: {  	[sflag:s15] =	ssyncset.done $0x0  }
0x95: {  	s16 =	sld [smem:$0x10];
	[sflag:s15] =	ssyncadd.s32 $0xFFFFFFFF  }
0x96: {  	s17 =	sld [smem:$0x12];
	(tm) =	ssettm $0x1  }
0x97: {  	s18 =	sld [smem:$0x3FFB];
	_ =	sdelay $0x3  }
0x98: {  	_ =	strace s18  }
0x99: {  	s4 =	sld [smem:$0x3FFC];
	_ =	sdelay $0x3  }
0x9a: {  	_ =	strace s4  }
0x9b: {  	s4 =	sld [smem:$0x3FFD];
	_ =	sdelay $0x3  }
0x9c: {  	_ =	strace s4  }
0x9d: {  	_ =	strace $0x8FFFFFFF  }
0x9e: {  	s19 =	sld [smem:$0x3FDB];
	_ =	sdelay $0x1  }
0x9f: {  	s5 =	simm.s32 $_scs_section_size  }
0xa0: {  	s6 =	simm.s32 $_size__tile_overlayer_lowered;
	s7 =	simm.s32 $_tile_overlayer_lowered  }
0xa1: {  	s22 =	simm.s32 $0x1BFF;
	s21 =	sshll.u32 s7, $0x1;
	s4 =	sadd.s32 s5, s19  }
0xa2: {  	s8 =	simm.s32 $0x0;
	s20 =	sshll.u32 s6, $0x1;
	s6 =	sadd.s32 s21, s4  }
0xa3: {  	[timem:s8], [sflag:s22] =	dma.local [hbm:s6], s20  }
0xa4: {  	_ =	swait.ge [sflag:s22], s20  }
0xa5: {  	s5 =	ssub.s32 $0x0, s20;
	[sflag:s22] =	ssyncset.done $0x0  }
0xa6: {  	[sflag:s22] =	ssyncadd.s32 s5;
	_ =	sdelay $0x1  }
0xa7: {  	s23 =	simm.s32 $0x1B8B  }
0xa8: {  	_ =	swait.ge [sflag:s23], $0x1  }
0xa9: {  	[sflag:s23] =	ssyncset.done $0x0  }
0xaa: {  	s25 =	simm.s32 $0x1B8E;
	s24 =	sld [smem:$0x3FFE];
	[sflag:s23] =	ssyncadd.s32 $0xFFFFFFFF  }
0xab: {  	s26 =	simm.s32 $execute0_lowered;
	[smem:$0x3FD2] =	sst s25  }
0xac: {  	s6 =	sshll.u32 s26, $0x1;
	_ =	strace $0x80000046;
	[dreg:$0x1] =	wrdreg $0xFFFFFFFF  }
0xad: {  	s28 =	simm.s32 $_size_execute0_lowered;
	s4 =	sadd.s32 s4, s6;
	[dreg:$0x0] =	wrdreg $0x0  }
0xae: {  	s6 =	sshll.u32 s28, $0x1;
	[dreg:$0x2] =	wrdreg s4  }
0xaf: {  	[dreg:$0x3] =	wrdreg s6  }
0xb0: {  	[dreg:$0x4] =	wrdreg $0xC0  }
0xb1: {  	_ =	task [dreg:s8], $0x5FFFF  }
0xb2: {  	[dreg:$0x1] =	wrdreg $0xFFFFFFFF  }
0xb3: {  	[dreg:$0x0] =	wrdreg $0x60  }
0xb4: {  	[dreg:$0x2] =	wrdreg s17  }
0xb5: {  	[dreg:$0x3] =	wrdreg s24  }
0xb6: {  	[dreg:$0x4] =	wrdreg s16  }
0xb7: {  	[dreg:$0x5] =	wrdreg $0x104800  }
0xb8: {  	[dreg:$0x6] =	wrdreg $0x9  }
0xb9: {  	_ =	task.clear_ibuf [dreg:s8], $0x7FFFF;
	_ =	strace $0x90000046  }
0xba: {  	s29 =	simm.s32 $0x9;
	_ =	strace $0x80000048  }
0xbb: {  	_ =	swait.ge [sflag:s29], $0x1  }
0xbc: {  	[sflag:s29] =	ssyncadd.s32 $0xFFFFFFFF  }
0xbd: {  	_ =	strace $0x90000048  }
0xbe: {  	_ =	sfence  }
0xbf: {  	s30 =	sld [smem:$0x0];
	_ =	sdelay $0x2  }
0xc0: {  	s31 =	sshll.u32 s1, $0xD;
	s1 =	sshrl.u32 s1, $0x2  }
0xc1: {  	s3 =	sand.u32 $0x4000, s31;
	s1 =	sadd.s32 s1, s30  }
0xc2: {  	s0 =	sor.u32 s3, s0;
	s1 =	sshll.u32 s1, $0x11  }
0xc3: {  	s0 =	sor.u32 s1, s0  }
0xc4: {  	s0 =	sadd.s32 $0x8F2B, s0  }
0xc5: {  	[sflag:s0] =	ssyncadd.remote.s32 $0x1  }
0xc6: {  	_ =	sfence.sel $0xFFFF  }
0xc7: {  	[dreg:$0x0] =	wrdreg $0xFFFFFFFF;
	(pc) =	sbr.abs _section_cstart, $3  }
0xc8: {  	[dreg:$0x1] =	wrdreg $0xFFFFFFFF  }
0xc9: {  	_ =	task.clear_ibuf [dreg:s8], $0x2FFFF;
	_ =	strace $0x9FFFFFFF  }
0xca: {  	(tm) =	ssettm $0x7FFFFFFF  }
0xcb: {  	_ =	shalt  }
tec
execute0_lowered:
.L_overlay_start_1:
0x0: {  	(tag) =	ssettag $0x1  }
0x1: {  	s0 =	rddreg [dreg:$0x0]  }
0x2: {  	s2 =	rddreg [dreg:$0x1]  }
0x3: {  	s5 =	rddreg [dreg:$0x2]  }
0x4: {  	s1 =	rddreg [dreg:$0x3];
	s3 =	simm.s32 $0x0;
	s4 =	srdreg.scid  }
0x5: {  	s10 =	stileid.u32;
	s26 =	simm.s32 $0x180;
	s28 =	simm.s32 $0x1200  }
0x6: {  	s29 =	simm.s32 $0x1A00;
	s30 =	simm.s32 $0x2200;
	s31 =	simm.s32 $0x2A00  }
0x7: {  	s13 =	simm.s32 $0x5200;
	s14 =	simm.s32 $0x5A00;
	s15 =	simm.s32 $0x6200  }
0x8: {  	s16 =	simm.s32 $0x6A00;
	s17 =	simm.s32 $0x7200;
	[smem:$0x7FF] =	sst s3  }
0x9: {  	s6 =	sand.u32 $0x1, s4;
	s7 =	sshll.u32 s10, $0xA;
	s4 =	sadd.s32 $0x600, s2  }
0xa: {  	s23 =	sshll.u32 s10, $0x9;
	_ =	strace $0x80000047;
	s8 =	sshll.u32 s6, $0x9  }
0xb: {  	s9 =	sshll.u32 s6, $0x7;
	s6 =	ssub.s32 $0x2, s6;
	s1 =	sadd.s32 s23, s1  }
0xc: {  	[dreg:$0xa] =	wrdreg s26;
	s23 =	simm.s32 $0xC200;
	s26 =	simm.s32 $0xCA00  }
0xd: {  	s8 =	sor.u32 s8, s7;
	s7 =	sor.u32 s9, s7;
	s21 =	sshrl.u32 s6, $0x1  }
0xe: {  	[dreg:$0xc] =	wrdreg s1;
	s9 =	simm.s32 $0x9A00;
	s18 =	sshrl.u32 s8, $0x3  }
0xf: {  	s8 =	sshll.u32 s8, $0x5;
	s7 =	sshrl.u32 s7, $0x3;
	s0 =	sadd.s32 s0, s18  }
0x10: {  	s25 =	ssub.s32 s6, s21;
	s5 =	sadd.s32 s5, s8;
	[dreg:$0x5] =	wrdreg s0  }
0x11: {  	s6 =	simm.s32 $0xA200;
	s19 =	sadd.s32 $0x1000, s5;
	[dreg:$0xb] =	wrdreg s5  }
0x12: {  	s21 =	simm.s32 $0xB200;
	s20 =	sadd.s32 $0x2000, s5;
	[dreg:$0x6] =	wrdreg s19  }
0x13: {  	s2 =	sadd.s32 s7, s2;
	s22 =	sadd.s32 $0x3000, s5;
	[dreg:$0x7] =	wrdreg s20  }
0x14: {  	v0 =	vimm.f32 $1.000000000e+00;
	v4 =	vlaneseq.u32;
	s7 =	smax.u32 s25, $0x1;
	s24 =	sadd.s32 $0x40600, s2;
	[dreg:$0x8] =	wrdreg s22  }
0x15: {  	v1 =	vimm.f32 $0.0e+00;
	vm0 =	vmmov $0xffff;
	v3 =	vshrl.u32 v4, $0x3;
	s8 =	simm.s32 $0x3;
	s18 =	simm.s32 $0x7A00;
	[dreg:$0x9] =	wrdreg s24  }
0x16: {  	v2 =	vand.u32 $0x7, v4;
	v4 =	vor.u32 $0x8, v4;
	v3 =	vmul.u32 $0x8, v3;
	s22 =	simm.s32 $0x8200;
	s24 =	simm.s32 $0x9200;
	s20 =	simm.s32 $0xBA00  }
.LBB2_1:
0x17: {  	s25 =	rddreg [dreg:$0x5]  }
0x18: {  	[tilespmem:s3], [sflag:$0x3] =	stream.linear.gather [hbm4b:s25+s3], $0x200, $0x38;
	[tilespmem:$0x10680] =	vst v63  }
0x19: {  	_ =	swait.ge [sflag:s8], $0x200  }
0x1a: {  	[sflag:s8] =	ssyncset.done $0x0  }
0x1b: {  	[sflag:s8] =	ssyncadd.s32 $0xFFFFFE00  }
0x1c: {  	[tilespmem:$0x10200] =	vst v0  }
0x1d: {  	[tilespmem:$0x10210] =	vst v0  }
0x1e: {  	[tilespmem:$0x10220] =	vst v0  }
0x1f: {  	[tilespmem:$0x10230] =	vst v0  }
0x20: {  	[tilespmem:$0x10240] =	vst v0  }
0x21: {  	[tilespmem:$0x10250] =	vst v0  }
0x22: {  	[tilespmem:$0x10260] =	vst v0  }
0x23: {  	[tilespmem:$0x10270] =	vst v0  }
0x24: {  	[tilespmem:$0x10280] =	vst v1  }
0x25: {  	[tilespmem:$0x10290] =	vst v1  }
0x26: {  	[tilespmem:$0x102A0] =	vst v1  }
0x27: {  	[tilespmem:$0x102B0] =	vst v1  }
0x28: {  	[tilespmem:$0x102C0] =	vst v1  }
0x29: {  	[tilespmem:$0x102D0] =	vst v1  }
0x2a: {  	[tilespmem:$0x102E0] =	vst v1  }
0x2b: {  	[tilespmem:$0x102F0] =	vst v1  }
0x2c: {  	[tilespmem:$0x10300] =	vst v1  }
0x2d: {  	[tilespmem:$0x10310] =	vst v1  }
0x2e: {  	[tilespmem:$0x10320] =	vst v1  }
0x2f: {  	[tilespmem:$0x10330] =	vst v1  }
0x30: {  	[tilespmem:$0x10340] =	vst v1  }
0x31: {  	[tilespmem:$0x10350] =	vst v1  }
0x32: {  	[tilespmem:$0x10360] =	vst v1  }
0x33: {  	[tilespmem:$0x10370] =	vst v1  }
0x34: {  	[tilespmem:$0x10380] =	vst v1  }
0x35: {  	[tilespmem:$0x10390] =	vst v1  }
0x36: {  	[tilespmem:$0x103A0] =	vst v1  }
0x37: {  	[tilespmem:$0x103B0] =	vst v1  }
0x38: {  	[tilespmem:$0x103C0] =	vst v1  }
0x39: {  	[tilespmem:$0x103D0] =	vst v1  }
0x3a: {  	[tilespmem:$0x103E0] =	vst v1  }
0x3b: {  	[tilespmem:$0x103F0] =	vst v1  }
0x3c: {  	[tilespmem:$0x10400] =	vst v1  }
0x3d: {  	[tilespmem:$0x10410] =	vst v1  }
0x3e: {  	[tilespmem:$0x10420] =	vst v1  }
0x3f: {  	[tilespmem:$0x10430] =	vst v1  }
0x40: {  	[tilespmem:$0x10440] =	vst v1  }
0x41: {  	[tilespmem:$0x10450] =	vst v1  }
0x42: {  	[tilespmem:$0x10460] =	vst v1  }
0x43: {  	s0 =	simm.s32 $0x10280;
	s10 =	rddreg [dreg:$0xc];
	[tilespmem:$0x10470] =	vst v1  }
0x44: {  	[spmem:s10] =	stream.linear.scatter [tilespmem:s0], [sflag:$0x3], $0x200, $0x38;
	[tilespmem:$0x10680] =	vst v63  }
0x45: {  	_ =	swait.ge [sflag:s8], $0x200  }
0x46: {  	[sflag:s8] =	ssyncset.done $0x0  }
0x47: {  	[sflag:s8] =	ssyncadd.s32 $0xFFFFFE00  }
0x48: {  	[bflag:$0x0] =	sbarrier.arrive $0xFFFF  }
0x49: {  	v5 =	vld [tilespmem:$0x0];
	_ =	sdelay $0x4  }
0x4a: {  	v6 =	vshll.u32 v5, $0x1  }
0x4b: {  	v5 =	vand.u32 $0x7, v5;
	v6 =	vand.u32 $0xFFFFFFF0, v6  }
0x4c: {  	v5 =	vor.u32 v5, v6  }
0x4d: {  	v6 =	vperm.xlane v5, v2;
	_ =	sdelay $0x1  }
0x4e: {  	v5 =	vperm.xlane v5, v4;
	v6 =	vadd.s32 v3, v6;
	_ =	sdelay $0x1  }
0x4f: {  	v5 =	vadd.s32 v3, v5;
	_ =	sdelay $0x1  }
0x50: {  	s12 =	simm.s32 $0x200  }
0x51: {  	[tilespmem:s12], [sflag:$0x1] =	stream.indirect_vreg.gather [hbm4b:s4+s3], $0x80, v6, vm0, $0xb8;
	[tilespmem:$0x10680] =	vst v63  }
0x52: {  	s25 =	simm.s32 $0xA00  }
0x53: {  	[tilespmem:s25], [sflag:$0x1] =	stream.indirect_vreg.gather [hbm4b:s4+s3], $0x80, v5, vm0, $0xb8;
	[tilespmem:$0x10680] =	vst v63  }
0x54: {  	v5 =	vld [tilespmem:$0x10];
	_ =	sdelay $0x4  }
0x55: {  	v6 =	vshll.u32 v5, $0x1  }
0x56: {  	v5 =	vand.u32 $0x7, v5;
	v6 =	vand.u32 $0xFFFFFFF0, v6  }
0x57: {  	v5 =	vor.u32 v5, v6  }
0x58: {  	v6 =	vperm.xlane v5, v2;
	_ =	sdelay $0x1  }
0x59: {  	v5 =	vperm.xlane v5, v4;
	v6 =	vadd.s32 v3, v6;
	_ =	sdelay $0x1  }
0x5a: {  	v5 =	vadd.s32 v3, v5;
	_ =	sdelay $0x2  }
0x5b: {  	[tilespmem:s28], [sflag:$0x1] =	stream.indirect_vreg.gather [hbm4b:s4+s3], $0x80, v6, vm0, $0xb8;
	[tilespmem:$0x10680] =	vst v63  }
0x5c: {  	_ = 	snop  }
0x5d: {  	[tilespmem:s29], [sflag:$0x1] =	stream.indirect_vreg.gather [hbm4b:s4+s3], $0x80, v5, vm0, $0xb8;
	[tilespmem:$0x10680] =	vst v63  }
0x5e: {  	v5 =	vld [tilespmem:$0x20];
	_ =	sdelay $0x4  }
0x5f: {  	v6 =	vshll.u32 v5, $0x1  }
0x60: {  	v5 =	vand.u32 $0x7, v5;
	v6 =	vand.u32 $0xFFFFFFF0, v6  }
0x61: {  	v5 =	vor.u32 v5, v6  }
0x62: {  	v6 =	vperm.xlane v5, v2;
	_ =	sdelay $0x1  }
0x63: {  	v5 =	vperm.xlane v5, v4;
	v6 =	vadd.s32 v3, v6;
	_ =	sdelay $0x1  }
0x64: {  	v5 =	vadd.s32 v3, v5;
	_ =	sdelay $0x2  }
0x65: {  	[tilespmem:s30], [sflag:$0x1] =	stream.indirect_vreg.gather [hbm4b:s4+s3], $0x80, v6, vm0, $0xb8;
	[tilespmem:$0x10680] =	vst v63  }
0x66: {  	_ = 	snop  }
0x67: {  	[tilespmem:s31], [sflag:$0x1] =	stream.indirect_vreg.gather [hbm4b:s4+s3], $0x80, v5, vm0, $0xb8;
	[tilespmem:$0x10680] =	vst v63  }
0x68: {  	v5 =	vld [tilespmem:$0x30];
	_ =	sdelay $0x4  }
0x69: {  	v6 =	vshll.u32 v5, $0x1  }
0x6a: {  	v5 =	vand.u32 $0x7, v5;
	v6 =	vand.u32 $0xFFFFFFF0, v6  }
0x6b: {  	v5 =	vor.u32 v5, v6  }
0x6c: {  	v6 =	vperm.xlane v5, v2;
	_ =	sdelay $0x1  }
0x6d: {  	v5 =	vperm.xlane v5, v4;
	v6 =	vadd.s32 v3, v6;
	_ =	sdelay $0x1  }
0x6e: {  	v5 =	vadd.s32 v3, v5;
	_ =	sdelay $0x1  }
0x6f: {  	s5 =	simm.s32 $0x3200  }
0x70: {  	[tilespmem:s5], [sflag:$0x1] =	stream.indirect_vreg.gather [hbm4b:s4+s3], $0x80, v6, vm0, $0xb8;
	[tilespmem:$0x10680] =	vst v63  }
0x71: {  	s2 =	simm.s32 $0x3A00  }
0x72: {  	[tilespmem:s2], [sflag:$0x1] =	stream.indirect_vreg.gather [hbm4b:s4+s3], $0x80, v5, vm0, $0xb8;
	[tilespmem:$0x10680] =	vst v63  }
0x73: {  	v5 =	vld [tilespmem:$0x40];
	_ =	sdelay $0x4  }
0x74: {  	v6 =	vshll.u32 v5, $0x1  }
0x75: {  	v5 =	vand.u32 $0x7, v5;
	v6 =	vand.u32 $0xFFFFFFF0, v6  }
0x76: {  	v5 =	vor.u32 v5, v6  }
0x77: {  	v6 =	vperm.xlane v5, v2;
	_ =	sdelay $0x1  }
0x78: {  	v5 =	vperm.xlane v5, v4;
	v6 =	vadd.s32 v3, v6;
	_ =	sdelay $0x1  }
0x79: {  	v5 =	vadd.s32 v3, v5;
	_ =	sdelay $0x1  }
0x7a: {  	s11 =	simm.s32 $0x4200  }
0x7b: {  	[tilespmem:s11], [sflag:$0x1] =	stream.indirect_vreg.gather [hbm4b:s4+s3], $0x80, v6, vm0, $0xb8;
	[tilespmem:$0x10680] =	vst v63  }
0x7c: {  	s12 =	simm.s32 $0x4A00  }
0x7d: {  	[tilespmem:s12], [sflag:$0x1] =	stream.indirect_vreg.gather [hbm4b:s4+s3], $0x80, v5, vm0, $0xb8;
	[tilespmem:$0x10680] =	vst v63  }
0x7e: {  	v5 =	vld [tilespmem:$0x50];
	_ =	sdelay $0x4  }
0x7f: {  	v6 =	vshll.u32 v5, $0x1  }
0x80: {  	v5 =	vand.u32 $0x7, v5;
	v6 =	vand.u32 $0xFFFFFFF0, v6  }
0x81: {  	v5 =	vor.u32 v5, v6  }
0x82: {  	v6 =	vperm.xlane v5, v2;
	_ =	sdelay $0x1  }
0x83: {  	v5 =	vperm.xlane v5, v4;
	v6 =	vadd.s32 v3, v6;
	_ =	sdelay $0x1  }
0x84: {  	v5 =	vadd.s32 v3, v5;
	_ =	sdelay $0x2  }
0x85: {  	[tilespmem:s13], [sflag:$0x1] =	stream.indirect_vreg.gather [hbm4b:s4+s3], $0x80, v6, vm0, $0xb8;
	[tilespmem:$0x10680] =	vst v63  }
0x86: {  	_ = 	snop  }
0x87: {  	[tilespmem:s14], [sflag:$0x1] =	stream.indirect_vreg.gather [hbm4b:s4+s3], $0x80, v5, vm0, $0xb8;
	[tilespmem:$0x10680] =	vst v63  }
0x88: {  	v5 =	vld [tilespmem:$0x60];
	_ =	sdelay $0x4  }
0x89: {  	v6 =	vshll.u32 v5, $0x1  }
0x8a: {  	v5 =	vand.u32 $0x7, v5;
	v6 =	vand.u32 $0xFFFFFFF0, v6  }
0x8b: {  	v5 =	vor.u32 v5, v6  }
0x8c: {  	v6 =	vperm.xlane v5, v2;
	_ =	sdelay $0x1  }
0x8d: {  	v5 =	vperm.xlane v5, v4;
	v6 =	vadd.s32 v3, v6;
	_ =	sdelay $0x1  }
0x8e: {  	v5 =	vadd.s32 v3, v5;
	_ =	sdelay $0x2  }
0x8f: {  	[tilespmem:s15], [sflag:$0x1] =	stream.indirect_vreg.gather [hbm4b:s4+s3], $0x80, v6, vm0, $0xb8;
	[tilespmem:$0x10680] =	vst v63  }
0x90: {  	_ = 	snop  }
0x91: {  	[tilespmem:s16], [sflag:$0x1] =	stream.indirect_vreg.gather [hbm4b:s4+s3], $0x80, v5, vm0, $0xb8;
	[tilespmem:$0x10680] =	vst v63  }
0x92: {  	v5 =	vld [tilespmem:$0x70];
	_ =	sdelay $0x4  }
0x93: {  	v6 =	vshll.u32 v5, $0x1  }
0x94: {  	v5 =	vand.u32 $0x7, v5;
	v6 =	vand.u32 $0xFFFFFFF0, v6  }
0x95: {  	v5 =	vor.u32 v5, v6  }
0x96: {  	v6 =	vperm.xlane v5, v2;
	_ =	sdelay $0x1  }
0x97: {  	v5 =	vperm.xlane v5, v4;
	v6 =	vadd.s32 v3, v6;
	_ =	sdelay $0x1  }
0x98: {  	v5 =	vadd.s32 v3, v5;
	_ =	sdelay $0x2  }
0x99: {  	[tilespmem:s17], [sflag:$0x1] =	stream.indirect_vreg.gather [hbm4b:s4+s3], $0x80, v6, vm0, $0xb8;
	[tilespmem:$0x10680] =	vst v63  }
0x9a: {  	_ = 	snop  }
0x9b: {  	[tilespmem:s18], [sflag:$0x1] =	stream.indirect_vreg.gather [hbm4b:s4+s3], $0x80, v5, vm0, $0xb8;
	[tilespmem:$0x10680] =	vst v63  }
0x9c: {  	v5 =	vld [tilespmem:$0x80];
	_ =	sdelay $0x4  }
0x9d: {  	v6 =	vshll.u32 v5, $0x1  }
0x9e: {  	v5 =	vand.u32 $0x7, v5;
	v6 =	vand.u32 $0xFFFFFFF0, v6  }
0x9f: {  	v5 =	vor.u32 v5, v6  }
0xa0: {  	v6 =	vperm.xlane v5, v2;
	_ =	sdelay $0x1  }
0xa1: {  	v5 =	vperm.xlane v5, v4;
	v6 =	vadd.s32 v3, v6;
	_ =	sdelay $0x1  }
0xa2: {  	v5 =	vadd.s32 v3, v5;
	_ =	sdelay $0x2  }
0xa3: {  	[tilespmem:s22], [sflag:$0x2] =	stream.indirect_vreg.gather [hbm4b:s4+s3], $0x80, v6, vm0, $0xb8;
	[tilespmem:$0x10680] =	vst v63  }
0xa4: {  	s19 =	simm.s32 $0x8A00  }
0xa5: {  	[tilespmem:s19], [sflag:$0x2] =	stream.indirect_vreg.gather [hbm4b:s4+s3], $0x80, v5, vm0, $0xb8;
	[tilespmem:$0x10680] =	vst v63  }
0xa6: {  	v5 =	vld [tilespmem:$0x90];
	_ =	sdelay $0x4  }
0xa7: {  	v6 =	vshll.u32 v5, $0x1  }
0xa8: {  	v5 =	vand.u32 $0x7, v5;
	v6 =	vand.u32 $0xFFFFFFF0, v6  }
0xa9: {  	v5 =	vor.u32 v5, v6  }
0xaa: {  	v6 =	vperm.xlane v5, v2;
	_ =	sdelay $0x1  }
0xab: {  	v5 =	vperm.xlane v5, v4;
	v6 =	vadd.s32 v3, v6;
	_ =	sdelay $0x1  }
0xac: {  	v5 =	vadd.s32 v3, v5;
	_ =	sdelay $0x2  }
0xad: {  	[tilespmem:s24], [sflag:$0x2] =	stream.indirect_vreg.gather [hbm4b:s4+s3], $0x80, v6, vm0, $0xb8;
	[tilespmem:$0x10680] =	vst v63  }
0xae: {  	_ = 	snop  }
0xaf: {  	[tilespmem:s9], [sflag:$0x2] =	stream.indirect_vreg.gather [hbm4b:s4+s3], $0x80, v5, vm0, $0xb8;
	[tilespmem:$0x10680] =	vst v63  }
0xb0: {  	v5 =	vld [tilespmem:$0xA0];
	_ =	sdelay $0x4  }
0xb1: {  	v6 =	vshll.u32 v5, $0x1  }
0xb2: {  	v5 =	vand.u32 $0x7, v5;
	v6 =	vand.u32 $0xFFFFFFF0, v6  }
0xb3: {  	v5 =	vor.u32 v5, v6  }
0xb4: {  	v6 =	vperm.xlane v5, v2;
	_ =	sdelay $0x1  }
0xb5: {  	v5 =	vperm.xlane v5, v4;
	v6 =	vadd.s32 v3, v6;
	_ =	sdelay $0x1  }
0xb6: {  	v5 =	vadd.s32 v3, v5;
	_ =	sdelay $0x2  }
0xb7: {  	[tilespmem:s6], [sflag:$0x2] =	stream.indirect_vreg.gather [hbm4b:s4+s3], $0x80, v6, vm0, $0xb8;
	[tilespmem:$0x10680] =	vst v63  }
0xb8: {  	s1 =	simm.s32 $0xAA00  }
0xb9: {  	[tilespmem:s1], [sflag:$0x2] =	stream.indirect_vreg.gather [hbm4b:s4+s3], $0x80, v5, vm0, $0xb8;
	[tilespmem:$0x10680] =	vst v63  }
0xba: {  	v5 =	vld [tilespmem:$0xB0];
	_ =	sdelay $0x4  }
0xbb: {  	v6 =	vshll.u32 v5, $0x1  }
0xbc: {  	v5 =	vand.u32 $0x7, v5;
	v6 =	vand.u32 $0xFFFFFFF0, v6  }
0xbd: {  	v5 =	vor.u32 v5, v6  }
0xbe: {  	v6 =	vperm.xlane v5, v2;
	_ =	sdelay $0x1  }
0xbf: {  	v5 =	vperm.xlane v5, v4;
	v6 =	vadd.s32 v3, v6;
	_ =	sdelay $0x1  }
0xc0: {  	v5 =	vadd.s32 v3, v5;
	_ =	sdelay $0x2  }
0xc1: {  	[tilespmem:s21], [sflag:$0x2] =	stream.indirect_vreg.gather [hbm4b:s4+s3], $0x80, v6, vm0, $0xb8;
	[tilespmem:$0x10680] =	vst v63  }
0xc2: {  	_ = 	snop  }
0xc3: {  	[tilespmem:s20], [sflag:$0x2] =	stream.indirect_vreg.gather [hbm4b:s4+s3], $0x80, v5, vm0, $0xb8;
	[tilespmem:$0x10680] =	vst v63  }
0xc4: {  	v5 =	vld [tilespmem:$0xC0];
	_ =	sdelay $0x4  }
0xc5: {  	v6 =	vshll.u32 v5, $0x1  }
0xc6: {  	v5 =	vand.u32 $0x7, v5;
	v6 =	vand.u32 $0xFFFFFFF0, v6  }
0xc7: {  	v5 =	vor.u32 v5, v6  }
0xc8: {  	v6 =	vperm.xlane v5, v2;
	_ =	sdelay $0x1  }
0xc9: {  	v5 =	vperm.xlane v5, v4;
	v6 =	vadd.s32 v3, v6;
	_ =	sdelay $0x1  }
0xca: {  	v5 =	vadd.s32 v3, v5;
	_ =	sdelay $0x2  }
0xcb: {  	[tilespmem:s23], [sflag:$0x2] =	stream.indirect_vreg.gather [hbm4b:s4+s3], $0x80, v6, vm0, $0xb8;
	[tilespmem:$0x10680] =	vst v63  }
0xcc: {  	_ = 	snop  }
0xcd: {  	[tilespmem:s26], [sflag:$0x2] =	stream.indirect_vreg.gather [hbm4b:s4+s3], $0x80, v5, vm0, $0xb8;
	[tilespmem:$0x10680] =	vst v63  }
0xce: {  	v5 =	vld [tilespmem:$0xD0];
	_ =	sdelay $0x4  }
0xcf: {  	v6 =	vshll.u32 v5, $0x1  }
0xd0: {  	v5 =	vand.u32 $0x7, v5;
	v6 =	vand.u32 $0xFFFFFFF0, v6  }
0xd1: {  	v5 =	vor.u32 v5, v6  }
0xd2: {  	v6 =	vperm.xlane v5, v2;
	_ =	sdelay $0x1  }
0xd3: {  	v5 =	vperm.xlane v5, v4;
	v6 =	vadd.s32 v3, v6;
	_ =	sdelay $0x1  }
0xd4: {  	v5 =	vadd.s32 v3, v5;
	_ =	sdelay $0x1  }
0xd5: {  	s19 =	simm.s32 $0xD200  }
0xd6: {  	[tilespmem:s19], [sflag:$0x2] =	stream.indirect_vreg.gather [hbm4b:s4+s3], $0x80, v6, vm0, $0xb8;
	[tilespmem:$0x10680] =	vst v63  }
0xd7: {  	s1 =	simm.s32 $0xDA00  }
0xd8: {  	[tilespmem:s1], [sflag:$0x2] =	stream.indirect_vreg.gather [hbm4b:s4+s3], $0x80, v5, vm0, $0xb8;
	[tilespmem:$0x10680] =	vst v63  }
0xd9: {  	v5 =	vld [tilespmem:$0xE0];
	_ =	sdelay $0x4  }
0xda: {  	v6 =	vshll.u32 v5, $0x1  }
0xdb: {  	v5 =	vand.u32 $0x7, v5;
	v6 =	vand.u32 $0xFFFFFFF0, v6  }
0xdc: {  	v5 =	vor.u32 v5, v6  }
0xdd: {  	v6 =	vperm.xlane v5, v2;
	_ =	sdelay $0x1  }
0xde: {  	v5 =	vperm.xlane v5, v4;
	v6 =	vadd.s32 v3, v6;
	_ =	sdelay $0x1  }
0xdf: {  	v5 =	vadd.s32 v3, v5;
	_ =	sdelay $0x1  }
0xe0: {  	s19 =	simm.s32 $0xE200  }
0xe1: {  	[tilespmem:s19], [sflag:$0x2] =	stream.indirect_vreg.gather [hbm4b:s4+s3], $0x80, v6, vm0, $0xb8;
	[tilespmem:$0x10680] =	vst v63  }
0xe2: {  	s1 =	simm.s32 $0xEA00  }
0xe3: {  	[tilespmem:s1], [sflag:$0x2] =	stream.indirect_vreg.gather [hbm4b:s4+s3], $0x80, v5, vm0, $0xb8;
	[tilespmem:$0x10680] =	vst v63  }
0xe4: {  	v5 =	vld [tilespmem:$0xF0];
	_ =	sdelay $0x4  }
0xe5: {  	v6 =	vshll.u32 v5, $0x1  }
0xe6: {  	v5 =	vand.u32 $0x7, v5;
	v6 =	vand.u32 $0xFFFFFFF0, v6  }
0xe7: {  	v5 =	vor.u32 v5, v6  }
0xe8: {  	v6 =	vperm.xlane v5, v2;
	_ =	sdelay $0x1  }
0xe9: {  	v5 =	vperm.xlane v5, v4;
	v6 =	vadd.s32 v3, v6;
	_ =	sdelay $0x1  }
0xea: {  	v5 =	vadd.s32 v3, v5;
	_ =	sdelay $0x1  }
0xeb: {  	s19 =	simm.s32 $0xF200  }
0xec: {  	[tilespmem:s19], [sflag:$0x2] =	stream.indirect_vreg.gather [hbm4b:s4+s3], $0x80, v6, vm0, $0xb8;
	[tilespmem:$0x10680] =	vst v63  }
0xed: {  	s1 =	simm.s32 $0xFA00  }
0xee: {  	[tilespmem:s1], [sflag:$0x2] =	stream.indirect_vreg.gather [hbm4b:s4+s3], $0x80, v5, vm0, $0xb8;
	[tilespmem:$0x10680] =	vst v63  }
0xef: {  	s1 =	simm.s32 $0x1  }
0xf0: {  	_ =	swait.ge [sflag:s1], $0x8000  }
0xf1: {  	[sflag:s1] =	ssyncset.done $0x0  }
0xf2: {  	s0 =	simm.s32 $0x200;
	s19 =	rddreg [dreg:$0xb];
	[sflag:s1] =	ssyncadd.s32 $0xFFFF8000  }
0xf3: {  	[hbm4b:s19+s3] =	stream.linear.scatter [tilespmem:s0], [sflag:$0x3], $0x8000, $0x38;
	[tilespmem:$0x10680] =	vst v63  }
0xf4: {  	_ =	swait.ge [sflag:s8], $0x8000  }
0xf5: {  	[sflag:s8] =	ssyncset.done $0x0  }
0xf6: {  	[sflag:s8] =	ssyncadd.s32 $0xFFFF8000  }
0xf7: {  	v5 =	vld [tilespmem:$0x100];
	_ =	sdelay $0x4  }
0xf8: {  	v6 =	vshll.u32 v5, $0x1  }
0xf9: {  	v5 =	vand.u32 $0x7, v5;
	v6 =	vand.u32 $0xFFFFFFF0, v6  }
0xfa: {  	v5 =	vor.u32 v5, v6  }
0xfb: {  	v6 =	vperm.xlane v5, v2;
	_ =	sdelay $0x1  }
0xfc: {  	v5 =	vperm.xlane v5, v4;
	v6 =	vadd.s32 v3, v6;
	_ =	sdelay $0x1  }
0xfd: {  	v5 =	vadd.s32 v3, v5;
	_ =	sdelay $0x2  }
0xfe: {  	[tilespmem:s0], [sflag:$0x1] =	stream.indirect_vreg.gather [hbm4b:s4+s3], $0x80, v6, vm0, $0xb8;
	[tilespmem:$0x10680] =	vst v63  }
0xff: {  	_ = 	snop  }
0x100: {  	[tilespmem:s25], [sflag:$0x1] =	stream.indirect_vreg.gather [hbm4b:s4+s3], $0x80, v5, vm0, $0xb8;
	[tilespmem:$0x10680] =	vst v63  }
0x101: {  	v5 =	vld [tilespmem:$0x110];
	_ =	sdelay $0x4  }
0x102: {  	v6 =	vshll.u32 v5, $0x1  }
0x103: {  	v5 =	vand.u32 $0x7, v5;
	v6 =	vand.u32 $0xFFFFFFF0, v6  }
0x104: {  	v5 =	vor.u32 v5, v6  }
0x105: {  	v6 =	vperm.xlane v5, v2;
	_ =	sdelay $0x1  }
0x106: {  	v5 =	vperm.xlane v5, v4;
	v6 =	vadd.s32 v3, v6;
	_ =	sdelay $0x1  }
0x107: {  	v5 =	vadd.s32 v3, v5;
	_ =	sdelay $0x2  }
0x108: {  	[tilespmem:s28], [sflag:$0x1] =	stream.indirect_vreg.gather [hbm4b:s4+s3], $0x80, v6, vm0, $0xb8;
	[tilespmem:$0x10680] =	vst v63  }
0x109: {  	_ = 	snop  }
0x10a: {  	[tilespmem:s29], [sflag:$0x1] =	stream.indirect_vreg.gather [hbm4b:s4+s3], $0x80, v5, vm0, $0xb8;
	[tilespmem:$0x10680] =	vst v63  }
0x10b: {  	v5 =	vld [tilespmem:$0x120];
	_ =	sdelay $0x4  }
0x10c: {  	v6 =	vshll.u32 v5, $0x1  }
0x10d: {  	v5 =	vand.u32 $0x7, v5;
	v6 =	vand.u32 $0xFFFFFFF0, v6  }
0x10e: {  	v5 =	vor.u32 v5, v6  }
0x10f: {  	v6 =	vperm.xlane v5, v2;
	_ =	sdelay $0x1  }
0x110: {  	v5 =	vperm.xlane v5, v4;
	v6 =	vadd.s32 v3, v6;
	_ =	sdelay $0x1  }
0x111: {  	v5 =	vadd.s32 v3, v5;
	_ =	sdelay $0x2  }
0x112: {  	[tilespmem:s30], [sflag:$0x1] =	stream.indirect_vreg.gather [hbm4b:s4+s3], $0x80, v6, vm0, $0xb8;
	[tilespmem:$0x10680] =	vst v63  }
0x113: {  	_ = 	snop  }
0x114: {  	[tilespmem:s31], [sflag:$0x1] =	stream.indirect_vreg.gather [hbm4b:s4+s3], $0x80, v5, vm0, $0xb8;
	[tilespmem:$0x10680] =	vst v63  }
0x115: {  	v5 =	vld [tilespmem:$0x130];
	_ =	sdelay $0x4  }
0x116: {  	v6 =	vshll.u32 v5, $0x1  }
0x117: {  	v5 =	vand.u32 $0x7, v5;
	v6 =	vand.u32 $0xFFFFFFF0, v6  }
0x118: {  	v5 =	vor.u32 v5, v6  }
0x119: {  	v6 =	vperm.xlane v5, v2;
	_ =	sdelay $0x1  }
0x11a: {  	v5 =	vperm.xlane v5, v4;
	v6 =	vadd.s32 v3, v6;
	_ =	sdelay $0x1  }
0x11b: {  	v5 =	vadd.s32 v3, v5;
	_ =	sdelay $0x2  }
0x11c: {  	[tilespmem:s5], [sflag:$0x1] =	stream.indirect_vreg.gather [hbm4b:s4+s3], $0x80, v6, vm0, $0xb8;
	[tilespmem:$0x10680] =	vst v63  }
0x11d: {  	_ = 	snop  }
0x11e: {  	[tilespmem:s2], [sflag:$0x1] =	stream.indirect_vreg.gather [hbm4b:s4+s3], $0x80, v5, vm0, $0xb8;
	[tilespmem:$0x10680] =	vst v63  }
0x11f: {  	v5 =	vld [tilespmem:$0x140];
	_ =	sdelay $0x4  }
0x120: {  	v6 =	vshll.u32 v5, $0x1  }
0x121: {  	v5 =	vand.u32 $0x7, v5;
	v6 =	vand.u32 $0xFFFFFFF0, v6  }
0x122: {  	v5 =	vor.u32 v5, v6  }
0x123: {  	v6 =	vperm.xlane v5, v2;
	_ =	sdelay $0x1  }
0x124: {  	v5 =	vperm.xlane v5, v4;
	v6 =	vadd.s32 v3, v6;
	_ =	sdelay $0x1  }
0x125: {  	v5 =	vadd.s32 v3, v5;
	_ =	sdelay $0x2  }
0x126: {  	[tilespmem:s11], [sflag:$0x1] =	stream.indirect_vreg.gather [hbm4b:s4+s3], $0x80, v6, vm0, $0xb8;
	[tilespmem:$0x10680] =	vst v63  }
0x127: {  	_ = 	snop  }
0x128: {  	[tilespmem:s12], [sflag:$0x1] =	stream.indirect_vreg.gather [hbm4b:s4+s3], $0x80, v5, vm0, $0xb8;
	[tilespmem:$0x10680] =	vst v63  }
0x129: {  	v5 =	vld [tilespmem:$0x150];
	_ =	sdelay $0x4  }
0x12a: {  	v6 =	vshll.u32 v5, $0x1  }
0x12b: {  	v5 =	vand.u32 $0x7, v5;
	v6 =	vand.u32 $0xFFFFFFF0, v6  }
0x12c: {  	v5 =	vor.u32 v5, v6  }
0x12d: {  	v6 =	vperm.xlane v5, v2;
	_ =	sdelay $0x1  }
0x12e: {  	v5 =	vperm.xlane v5, v4;
	v6 =	vadd.s32 v3, v6;
	_ =	sdelay $0x1  }
0x12f: {  	v5 =	vadd.s32 v3, v5;
	_ =	sdelay $0x2  }
0x130: {  	[tilespmem:s13], [sflag:$0x1] =	stream.indirect_vreg.gather [hbm4b:s4+s3], $0x80, v6, vm0, $0xb8;
	[tilespmem:$0x10680] =	vst v63  }
0x131: {  	_ = 	snop  }
0x132: {  	[tilespmem:s14], [sflag:$0x1] =	stream.indirect_vreg.gather [hbm4b:s4+s3], $0x80, v5, vm0, $0xb8;
	[tilespmem:$0x10680] =	vst v63  }
0x133: {  	v5 =	vld [tilespmem:$0x160];
	_ =	sdelay $0x4  }
0x134: {  	v6 =	vshll.u32 v5, $0x1  }
0x135: {  	v5 =	vand.u32 $0x7, v5;
	v6 =	vand.u32 $0xFFFFFFF0, v6  }
0x136: {  	v5 =	vor.u32 v5, v6  }
0x137: {  	v6 =	vperm.xlane v5, v2;
	_ =	sdelay $0x1  }
0x138: {  	v5 =	vperm.xlane v5, v4;
	v6 =	vadd.s32 v3, v6;
	_ =	sdelay $0x1  }
0x139: {  	v5 =	vadd.s32 v3, v5;
	_ =	sdelay $0x2  }
0x13a: {  	[tilespmem:s15], [sflag:$0x1] =	stream.indirect_vreg.gather [hbm4b:s4+s3], $0x80, v6, vm0, $0xb8;
	[tilespmem:$0x10680] =	vst v63  }
0x13b: {  	_ = 	snop  }
0x13c: {  	[tilespmem:s16], [sflag:$0x1] =	stream.indirect_vreg.gather [hbm4b:s4+s3], $0x80, v5, vm0, $0xb8;
	[tilespmem:$0x10680] =	vst v63  }
0x13d: {  	v5 =	vld [tilespmem:$0x170];
	_ =	sdelay $0x4  }
0x13e: {  	v6 =	vshll.u32 v5, $0x1  }
0x13f: {  	v5 =	vand.u32 $0x7, v5;
	v6 =	vand.u32 $0xFFFFFFF0, v6  }
0x140: {  	v5 =	vor.u32 v5, v6  }
0x141: {  	v6 =	vperm.xlane v5, v2;
	_ =	sdelay $0x1  }
0x142: {  	v5 =	vperm.xlane v5, v4;
	v6 =	vadd.s32 v3, v6;
	_ =	sdelay $0x1  }
0x143: {  	v5 =	vadd.s32 v3, v5;
	_ =	sdelay $0x2  }
0x144: {  	[tilespmem:s17], [sflag:$0x1] =	stream.indirect_vreg.gather [hbm4b:s4+s3], $0x80, v6, vm0, $0xb8;
	[tilespmem:$0x10680] =	vst v63  }
0x145: {  	_ = 	snop  }
0x146: {  	[tilespmem:s18], [sflag:$0x1] =	stream.indirect_vreg.gather [hbm4b:s4+s3], $0x80, v5, vm0, $0xb8;
	[tilespmem:$0x10680] =	vst v63  }
0x147: {  	s0 =	rddreg [dreg:$0x3];
	s2 =	simm.s32 $0x80;
	s11 =	simm.s32 $0x10200  }
0x148: {  	[spmem:s0] =	stream.indirect.scatter.add.f32 [tilespmem:s11], [sflag:$0x3], $0x1, s3, s2, $0xb8;
	[tilespmem:$0x10680] =	vst v63  }
0x149: {  	_ =	swait.ge [sflag:s8], $0x80  }
0x14a: {  	[sflag:s8] =	ssyncset.done $0x0  }
0x14b: {  	s12 =	simm.s32 $0x2;
	[sflag:s8] =	ssyncadd.s32 $0xFFFFFF80  }
0x14c: {  	_ =	swait.ge [sflag:s12], $0x8000  }
0x14d: {  	[sflag:s12] =	ssyncset.done $0x0  }
0x14e: {  	s5 =	rddreg [dreg:$0x6];
	[sflag:s12] =	ssyncadd.s32 $0xFFFF8000  }
0x14f: {  	[hbm4b:s5+s3] =	stream.linear.scatter [tilespmem:s22], [sflag:$0x3], $0x8000, $0x38;
	[tilespmem:$0x10680] =	vst v63  }
0x150: {  	_ =	swait.ge [sflag:s8], $0x8000  }
0x151: {  	[sflag:s8] =	ssyncset.done $0x0  }
0x152: {  	[sflag:s8] =	ssyncadd.s32 $0xFFFF8000  }
0x153: {  	v5 =	vld [tilespmem:$0x180];
	_ =	sdelay $0x4  }
0x154: {  	v6 =	vshll.u32 v5, $0x1  }
0x155: {  	v5 =	vand.u32 $0x7, v5;
	v6 =	vand.u32 $0xFFFFFFF0, v6  }
0x156: {  	v5 =	vor.u32 v5, v6  }
0x157: {  	v6 =	vperm.xlane v5, v2;
	_ =	sdelay $0x1  }
0x158: {  	v5 =	vperm.xlane v5, v4;
	v6 =	vadd.s32 v3, v6;
	_ =	sdelay $0x1  }
0x159: {  	v5 =	vadd.s32 v3, v5;
	_ =	sdelay $0x2  }
0x15a: {  	[tilespmem:s22], [sflag:$0x2] =	stream.indirect_vreg.gather [hbm4b:s4+s3], $0x80, v6, vm0, $0xb8;
	[tilespmem:$0x10680] =	vst v63  }
0x15b: {  	s25 =	simm.s32 $0x8A00  }
0x15c: {  	[tilespmem:s25], [sflag:$0x2] =	stream.indirect_vreg.gather [hbm4b:s4+s3], $0x80, v5, vm0, $0xb8;
	[tilespmem:$0x10680] =	vst v63  }
0x15d: {  	v5 =	vld [tilespmem:$0x190];
	_ =	sdelay $0x4  }
0x15e: {  	v6 =	vshll.u32 v5, $0x1  }
0x15f: {  	v5 =	vand.u32 $0x7, v5;
	v6 =	vand.u32 $0xFFFFFFF0, v6  }
0x160: {  	v5 =	vor.u32 v5, v6  }
0x161: {  	v6 =	vperm.xlane v5, v2;
	_ =	sdelay $0x1  }
0x162: {  	v5 =	vperm.xlane v5, v4;
	v6 =	vadd.s32 v3, v6;
	_ =	sdelay $0x1  }
0x163: {  	v5 =	vadd.s32 v3, v5;
	_ =	sdelay $0x2  }
0x164: {  	[tilespmem:s24], [sflag:$0x2] =	stream.indirect_vreg.gather [hbm4b:s4+s3], $0x80, v6, vm0, $0xb8;
	[tilespmem:$0x10680] =	vst v63  }
0x165: {  	_ = 	snop  }
0x166: {  	[tilespmem:s9], [sflag:$0x2] =	stream.indirect_vreg.gather [hbm4b:s4+s3], $0x80, v5, vm0, $0xb8;
	[tilespmem:$0x10680] =	vst v63  }
0x167: {  	v5 =	vld [tilespmem:$0x1A0];
	_ =	sdelay $0x4  }
0x168: {  	v6 =	vshll.u32 v5, $0x1  }
0x169: {  	v5 =	vand.u32 $0x7, v5;
	v6 =	vand.u32 $0xFFFFFFF0, v6  }
0x16a: {  	v5 =	vor.u32 v5, v6  }
0x16b: {  	v6 =	vperm.xlane v5, v2;
	_ =	sdelay $0x1  }
0x16c: {  	v5 =	vperm.xlane v5, v4;
	v6 =	vadd.s32 v3, v6;
	_ =	sdelay $0x1  }
0x16d: {  	v5 =	vadd.s32 v3, v5;
	_ =	sdelay $0x2  }
0x16e: {  	[tilespmem:s6], [sflag:$0x2] =	stream.indirect_vreg.gather [hbm4b:s4+s3], $0x80, v6, vm0, $0xb8;
	[tilespmem:$0x10680] =	vst v63  }
0x16f: {  	s25 =	simm.s32 $0xAA00  }
0x170: {  	[tilespmem:s25], [sflag:$0x2] =	stream.indirect_vreg.gather [hbm4b:s4+s3], $0x80, v5, vm0, $0xb8;
	[tilespmem:$0x10680] =	vst v63  }
0x171: {  	v5 =	vld [tilespmem:$0x1B0];
	_ =	sdelay $0x4  }
0x172: {  	v6 =	vshll.u32 v5, $0x1  }
0x173: {  	v5 =	vand.u32 $0x7, v5;
	v6 =	vand.u32 $0xFFFFFFF0, v6  }
0x174: {  	v5 =	vor.u32 v5, v6  }
0x175: {  	v6 =	vperm.xlane v5, v2;
	_ =	sdelay $0x1  }
0x176: {  	v5 =	vperm.xlane v5, v4;
	v6 =	vadd.s32 v3, v6;
	_ =	sdelay $0x1  }
0x177: {  	v5 =	vadd.s32 v3, v5;
	_ =	sdelay $0x2  }
0x178: {  	[tilespmem:s21], [sflag:$0x2] =	stream.indirect_vreg.gather [hbm4b:s4+s3], $0x80, v6, vm0, $0xb8;
	[tilespmem:$0x10680] =	vst v63  }
0x179: {  	_ = 	snop  }
0x17a: {  	[tilespmem:s20], [sflag:$0x2] =	stream.indirect_vreg.gather [hbm4b:s4+s3], $0x80, v5, vm0, $0xb8;
	[tilespmem:$0x10680] =	vst v63  }
0x17b: {  	v5 =	vld [tilespmem:$0x1C0];
	_ =	sdelay $0x4  }
0x17c: {  	v6 =	vshll.u32 v5, $0x1  }
0x17d: {  	v5 =	vand.u32 $0x7, v5;
	v6 =	vand.u32 $0xFFFFFFF0, v6  }
0x17e: {  	v5 =	vor.u32 v5, v6  }
0x17f: {  	v6 =	vperm.xlane v5, v2;
	_ =	sdelay $0x1  }
0x180: {  	v5 =	vperm.xlane v5, v4;
	v6 =	vadd.s32 v3, v6;
	_ =	sdelay $0x1  }
0x181: {  	v5 =	vadd.s32 v3, v5;
	_ =	sdelay $0x2  }
0x182: {  	[tilespmem:s23], [sflag:$0x2] =	stream.indirect_vreg.gather [hbm4b:s4+s3], $0x80, v6, vm0, $0xb8;
	[tilespmem:$0x10680] =	vst v63  }
0x183: {  	_ = 	snop  }
0x184: {  	[tilespmem:s26], [sflag:$0x2] =	stream.indirect_vreg.gather [hbm4b:s4+s3], $0x80, v5, vm0, $0xb8;
	[tilespmem:$0x10680] =	vst v63  }
0x185: {  	v5 =	vld [tilespmem:$0x1D0];
	_ =	sdelay $0x4  }
0x186: {  	v6 =	vshll.u32 v5, $0x1  }
0x187: {  	v5 =	vand.u32 $0x7, v5;
	v6 =	vand.u32 $0xFFFFFFF0, v6  }
0x188: {  	v5 =	vor.u32 v5, v6  }
0x189: {  	v6 =	vperm.xlane v5, v2;
	_ =	sdelay $0x1  }
0x18a: {  	v5 =	vperm.xlane v5, v4;
	v6 =	vadd.s32 v3, v6;
	_ =	sdelay $0x1  }
0x18b: {  	v5 =	vadd.s32 v3, v5;
	_ =	sdelay $0x1  }
0x18c: {  	s25 =	simm.s32 $0xD200  }
0x18d: {  	[tilespmem:s25], [sflag:$0x2] =	stream.indirect_vreg.gather [hbm4b:s4+s3], $0x80, v6, vm0, $0xb8;
	[tilespmem:$0x10680] =	vst v63  }
0x18e: {  	s25 =	simm.s32 $0xDA00  }
0x18f: {  	[tilespmem:s25], [sflag:$0x2] =	stream.indirect_vreg.gather [hbm4b:s4+s3], $0x80, v5, vm0, $0xb8;
	[tilespmem:$0x10680] =	vst v63  }
0x190: {  	v5 =	vld [tilespmem:$0x1E0];
	_ =	sdelay $0x4  }
0x191: {  	v6 =	vshll.u32 v5, $0x1  }
0x192: {  	v5 =	vand.u32 $0x7, v5;
	v6 =	vand.u32 $0xFFFFFFF0, v6  }
0x193: {  	v5 =	vor.u32 v5, v6  }
0x194: {  	v6 =	vperm.xlane v5, v2;
	_ =	sdelay $0x1  }
0x195: {  	v5 =	vperm.xlane v5, v4;
	v6 =	vadd.s32 v3, v6;
	_ =	sdelay $0x1  }
0x196: {  	v5 =	vadd.s32 v3, v5;
	_ =	sdelay $0x1  }
0x197: {  	s25 =	simm.s32 $0xE200  }
0x198: {  	[tilespmem:s25], [sflag:$0x2] =	stream.indirect_vreg.gather [hbm4b:s4+s3], $0x80, v6, vm0, $0xb8;
	[tilespmem:$0x10680] =	vst v63  }
0x199: {  	s25 =	simm.s32 $0xEA00  }
0x19a: {  	[tilespmem:s25], [sflag:$0x2] =	stream.indirect_vreg.gather [hbm4b:s4+s3], $0x80, v5, vm0, $0xb8;
	[tilespmem:$0x10680] =	vst v63  }
0x19b: {  	v5 =	vld [tilespmem:$0x1F0];
	_ =	sdelay $0x4  }
0x19c: {  	v6 =	vshll.u32 v5, $0x1  }
0x19d: {  	v5 =	vand.u32 $0x7, v5;
	v6 =	vand.u32 $0xFFFFFFF0, v6  }
0x19e: {  	v5 =	vor.u32 v5, v6  }
0x19f: {  	v6 =	vperm.xlane v5, v2;
	_ =	sdelay $0x1  }
0x1a0: {  	v5 =	vperm.xlane v5, v4;
	v6 =	vadd.s32 v3, v6;
	_ =	sdelay $0x1  }
0x1a1: {  	v5 =	vadd.s32 v3, v5;
	_ =	sdelay $0x1  }
0x1a2: {  	s25 =	simm.s32 $0xF200  }
0x1a3: {  	[tilespmem:s25], [sflag:$0x2] =	stream.indirect_vreg.gather [hbm4b:s4+s3], $0x80, v6, vm0, $0xb8;
	[tilespmem:$0x10680] =	vst v63  }
0x1a4: {  	s25 =	simm.s32 $0xFA00  }
0x1a5: {  	[tilespmem:s25], [sflag:$0x2] =	stream.indirect_vreg.gather [hbm4b:s4+s3], $0x80, v5, vm0, $0xb8;
	[tilespmem:$0x10680] =	vst v63  }
0x1a6: {  	_ = 	snop  }
0x1a7: {  	[spmem:s0] =	stream.indirect.scatter.add.f32 [tilespmem:s11], [sflag:$0x3], $0x1, s2, s2, $0xb8;
	[tilespmem:$0x10680] =	vst v63  }
0x1a8: {  	_ =	swait.ge [sflag:s8], $0x80  }
0x1a9: {  	[sflag:s8] =	ssyncset.done $0x0  }
0x1aa: {  	[sflag:s8] =	ssyncadd.s32 $0xFFFFFF80  }
0x1ab: {  	_ =	swait.ge [sflag:s1], $0x8000  }
0x1ac: {  	[sflag:s1] =	ssyncset.done $0x0  }
0x1ad: {  	s19 =	simm.s32 $0x200;
	s5 =	rddreg [dreg:$0x7];
	[sflag:s1] =	ssyncadd.s32 $0xFFFF8000  }
0x1ae: {  	[hbm4b:s5+s3] =	stream.linear.scatter [tilespmem:s19], [sflag:$0x3], $0x8000, $0x38;
	[tilespmem:$0x10680] =	vst v63  }
0x1af: {  	_ =	swait.ge [sflag:s8], $0x8000  }
0x1b0: {  	[sflag:s8] =	ssyncset.done $0x0  }
0x1b1: {  	s1 =	simm.s32 $0x100;
	[sflag:s8] =	ssyncadd.s32 $0xFFFF8000  }
0x1b2: {  	[spmem:s0] =	stream.indirect.scatter.add.f32 [tilespmem:s11], [sflag:$0x3], $0x1, s1, s2, $0xb8;
	[tilespmem:$0x10680] =	vst v63  }
0x1b3: {  	_ =	swait.ge [sflag:s8], $0x80  }
0x1b4: {  	[sflag:s8] =	ssyncset.done $0x0  }
0x1b5: {  	[sflag:s8] =	ssyncadd.s32 $0xFFFFFF80  }
0x1b6: {  	_ =	swait.ge [sflag:s12], $0x8000  }
0x1b7: {  	[sflag:s12] =	ssyncset.done $0x0  }
0x1b8: {  	s19 =	rddreg [dreg:$0x8];
	[sflag:s12] =	ssyncadd.s32 $0xFFFF8000  }
0x1b9: {  	[hbm4b:s19+s3] =	stream.linear.scatter [tilespmem:s22], [sflag:$0x3], $0x8000, $0x38;
	[tilespmem:$0x10680] =	vst v63  }
0x1ba: {  	_ =	swait.ge [sflag:s8], $0x8000  }
0x1bb: {  	[sflag:s8] =	ssyncset.done $0x0  }
0x1bc: {  	s5 =	rddreg [dreg:$0xa];
	[sflag:s8] =	ssyncadd.s32 $0xFFFF8000  }
0x1bd: {  	[spmem:s0] =	stream.indirect.scatter.add.f32 [tilespmem:s11], [sflag:$0x3], $0x1, s5, s2, $0xb8;
	[tilespmem:$0x10680] =	vst v63  }
0x1be: {  	_ =	swait.ge [sflag:s8], $0x80  }
0x1bf: {  	[sflag:s8] =	ssyncset.done $0x0  }
0x1c0: {  	[sflag:s8] =	ssyncadd.s32 $0xFFFFFF80  }
0x1c1: {  	s12 =	simm.s32 $0x10280;
	[bflag:$0x0] =	sbarrier.arrive $0xFFFF  }
0x1c2: {  	[tilespmem:s12], [sflag:$0x3] =	stream.linear.gather [spmem:s10], $0x200, $0x38;
	[tilespmem:$0x10680] =	vst v63  }
0x1c3: {  	_ =	swait.ge [sflag:s8], $0x200  }
0x1c4: {  	p0 =	sne.s32 s7, $0x1;
	[sflag:s8] =	ssyncset.done $0x0  }
.Ltmp0:
0x1c5: {  	s19 =	rddreg [dreg:$0x9];
	[sflag:s8] =	ssyncadd.s32 $0xFFFFFE00;
	(pc) =	sbr.rel @p0 .LBB2_1-.Ltmp0, $4  }
0x1c6: {  	[hbm4b:s19+s2] =	stream.strided.scatter [tilespmem:s12], [sflag:$0x3], $0x200, s1, s2, $0x38;
	[tilespmem:$0x10680] =	vst v63  }
0x1c7: {  	_ =	swait.ge [sflag:s8], $0x200  }
0x1c8: {  	[sflag:s8] =	ssyncset.done $0x0  }
0x1c9: {  	s7 =	sadd.s32 $0xFFFFFFFF, s7;
	[sflag:s8] =	ssyncadd.s32 $0xFFFFFE00  }
0x1ca: {  	_ =	sfence.sel $0x180000  }
0x1cb: {  	[bflag:$0x0] =	sbarrier.arrive $0xFFFF  }
0x1cc: {  	_ =	strace $0x90000047  }
0x1cd: {  	s0 =	stileid.u32;
	[bflag:$0x2] =	sbarrier.arrive $0xFFFF  }
0x1ce: {  	p0 =	sne.s32 s0, $0x0;
	s0 =	rddreg [dreg:$0x4]  }
0x1cf: {  	s0 =	sadd.s32 @!p0 $0x100000, s0  }
0x1d0: {  	[sflag:s0] =	ssyncadd.tile.s32 @!p0 $0x1;
	_ =	shalt  }
.Lfunc_end2:
_tile_overlayer_lowered:
.L_overlay_start_2:
0x1d1: {  	(tag) =	ssettag $0x2  }
0x1d2: {  	s0 =	rddreg [dreg:$0x0];
	s2 =	stileid.u32  }
0x1d3: {  	s1 =	rddreg [dreg:$0x1];
	p0 =	sne.s32 s2, $0x0  }
0x1d4: {  	s3 =	rddreg [dreg:$0x2];
	[bflag:$0x3] =	sbarrier.arrive $0xFFFF;
	s2 =	simm.s32 @!p0 $0x1C03  }
0x1d5: {  	[timem:s3], [sflag:s2] =	dma.local @!p0 [hbm:s0], s1  }
0x1d6: {  	s0 =	simm.s32 @!p0 $0x3  }
0x1d7: {  	_ =	swait.ge @!p0 [sflag:s0], s1  }
0x1d8: {  	s1 =	ssub.s32 @!p0 $0x0, s1;
	[sflag:s0] =	ssyncset.done @!p0 $0x0  }
0x1d9: {  	[sflag:s0] =	ssyncadd.s32 @!p0 s1  }
0x1da: {  	[bflag:$0x3] =	sbarrier.arrive $0xFFFF  }
0x1db: {  	_ =	shalt  }

</sc_bundles>
